<compile_context>
chip_gen: v7x
topology: tpu7x:2x2x1
jax: 0.10.2.dev20260603
libtpu: 0.0.44.dev20260713+nightly
codegen_flags: <defaults>
</compile_context>

<pallas_src>
import functools

import jax
import jax.numpy as jnp
from jax import lax
from jax.experimental import pallas as pl
from jax.experimental.pallas import tpu as pltpu
from jax.experimental.pallas import tpu_sc as plsc

_NUM_HEADS = 16
_Q = 32
_K = 32
_QQ = _Q * _Q
_KK = _K * _K
_TROWS = 3969


def _sc_expand(table):
    info = plsc.get_sparse_core_info()
    num_cores, num_subcores = info.num_cores, info.num_subcores
    num_workers = num_cores * num_subcores
    halves_per_head = num_workers // _NUM_HEADS
    qi_per_worker = _Q // halves_per_head

    mesh = plsc.VectorSubcoreMesh(core_axis_name="c", subcore_axis_name="s")

    @functools.partial(
        pl.kernel,
        out_type=jax.ShapeDtypeStruct((_NUM_HEADS, _QQ, _KK), jnp.float32),
        mesh=mesh,
        scratch_types=[
            pltpu.VMEM((_TROWS * _NUM_HEADS,), jnp.float32),
            pltpu.VMEM((3976,), jnp.float32),
            pltpu.VMEM((16, _KK), jnp.float32),
            pltpu.VMEM((16, _KK), jnp.float32),
            pltpu.SemaphoreType.DMA,
            pltpu.SemaphoreType.DMA,
        ],
        compiler_params=pltpu.CompilerParams(needs_layout_passes=False),
    )
    def expand(table_hbm, out_hbm, t2_v, th_v, b0_v, b1_v, sem0, sem1):
        wid = lax.axis_index("s") * num_cores + lax.axis_index("c")
        h = wid // halves_per_head
        qi0 = (wid % halves_per_head) * qi_per_worker
        pltpu.sync_copy(table_hbm, t2_v)

        lanes = lax.iota(jnp.int32, 16)
        lanes16 = 16 * lanes
        step_ki_src = jnp.full((16,), 63, jnp.int32)
        step_ki_col = jnp.full((16,), _K, jnp.int32)

        def extract(i, src_v):
            vals = plsc.load_gather(t2_v, [src_v])
            plsc.store_scatter(th_v, [16 * i + lanes], vals)
            return src_v + 256

        lax.fori_loop(
            0, _TROWS // 16, extract,
            jnp.full((16,), h, jnp.int32) + lanes16,
        )
        tail = _TROWS - 16
        tail_rows = jnp.full((16,), tail, jnp.int32) + lanes
        tvals = plsc.load_gather(
            t2_v, [jnp.full((16,), tail * 16 + h, jnp.int32) + lanes16]
        )
        plsc.store_scatter(th_v, [tail_rows], tvals)

        def build(q0, b_v):
            qi = q0 // _Q
            qjbase = q0 % _Q

            def body_qj(lr, carry):
                qj = qjbase + lr
                base = 3937 - 63 * (31 - qi) + qj
                row_v = jnp.full((16,), lr, jnp.int32)

                for half in range(2):
                    src0 = jnp.full(
                        (16,), base - 16 * half, jnp.int32
                    ) - lanes
                    col0 = 16 * half + lanes

                    def _ki(kig, c):
                        src_v, col_v = c
                        srcs, cols = [], []
                        for u in range(8):
                            srcs.append(src_v)
                            cols.append(col_v)
                            src_v = src_v - step_ki_src
                            col_v = col_v + step_ki_col
                        vals = [
                            plsc.load_gather(th_v, [s]) for s in srcs
                        ]
                        for u in range(8):
                            plsc.store_scatter(
                                b_v, [row_v, cols[u]], vals[u]
                            )
                        return src_v, col_v

                    lax.fori_loop(0, _K // 8, _ki, (src0, col0))
                return carry

            lax.fori_loop(0, 16, body_qj, 0)

        def fire(q0, b_v, sem):
            pltpu.async_copy(b_v, out_hbm.at[h, pl.ds(q0, 16)], sem)

        def wait_block(sem):
            pltpu.make_async_copy(
                out_hbm.at[0, pl.ds(0, 16)], b0_v, sem
            ).wait()

        nblocks = qi_per_worker * _Q // 16

        def step(i, carry):
            q0 = qi0 * _Q + 16 * i

            @pl.when(i % 2 == 0)
            def _even():
                @pl.when(i >= 2)
                def _w():
                    wait_block(sem0)

                build(q0, b0_v)
                fire(q0, b0_v, sem0)

            @pl.when(i % 2 == 1)
            def _odd():
                @pl.when(i >= 2)
                def _w():
                    wait_block(sem1)

                build(q0, b1_v)
                fire(q0, b1_v, sem1)

            return carry

        lax.fori_loop(0, nblocks, step, 0)
        wait_block(sem0)
        wait_block(sem1)

    return expand(table)


def kernel(relative_position_bias_table, relative_position_index):
    del relative_position_index
    out = _sc_expand(
        relative_position_bias_table.reshape(_TROWS * _NUM_HEADS)
    )
    return out.reshape(1, _NUM_HEADS, _QQ, _KK)

# --- scband reference (transcript-rebuilt; emitter-appended) ---
"""Pipeline reference for scband-relative-positional-encoding-38491496906756 (READ-ONLY COPY).

The authoritative reference and input builder live on the scoring server;
editing this copy changes nothing except your own understanding.
"""

import jax, jax.numpy as jnp
import numpy as np

Q_SIZE = 32
K_SIZE = 32
NUM_HEADS = 16


def _build_relative_position_index(q_size, k_size):
    coords = np.stack(np.meshgrid(np.arange(k_size), np.arange(k_size), indexing='ij'), axis=0)  # [2, K, K]
    start = (k_size - q_size) // 2
    end = start + q_size
    coords_q = coords[:, start:end, start:end].reshape(2, -1)  # [2, Q*Q]
    coords_k = coords.reshape(2, -1)  # [2, K*K]
    relative_coords = coords_q[:, :, None] - coords_k[:, None, :]  # [2, Q*Q, K*K]
    relative_coords = np.transpose(relative_coords, (1, 2, 0)) + (k_size - 1)
    relative_position_index = relative_coords[:, :, 0] * (2 * k_size - 1) + relative_coords[:, :, 1]
    return jnp.asarray(relative_position_index, dtype=jnp.int32)


def setup_inputs(seed: int = 0) -> dict:
    key = jax.random.key(seed)
    table_rows = (2 * K_SIZE - 1) * (2 * K_SIZE - 1)
    # trunc_normal_(std=0.02) approximated by clipped normal
    table = jnp.clip(jax.random.normal(key, (table_rows, NUM_HEADS), dtype=jnp.float32) * 0.02, -0.04, 0.04)
    idx = _build_relative_position_index(Q_SIZE, K_SIZE)
    return {"relative_position_bias_table": table, "relative_position_index": idx}


def reference(relative_position_bias_table, relative_position_index):
    # gather: [Q*Q, K*K] indices into [table_rows, H] table -> [Q*Q, K*K, H]
    bias = jnp.take(relative_position_bias_table, relative_position_index, axis=0)
    bias = jnp.transpose(bias, (2, 0, 1))[None]  # [1, H, Q*Q, K*K]
    return bias

if __name__ == "__main__":
    import jax
    _d = setup_inputs()
    print(jax.jit(kernel)(*tuple(_d.values())))

</pallas_src>

<mosaic_0001>
#map = affine_map<(d0, d1) -> (0)>
#map1 = affine_map<(d0, d1) -> (0, 0, 0)>
module attributes {stable_mosaic.version = 14 : i64} {
  func.func @expand(%arg0: i32, %arg1: i32, %arg2: memref<63504xf32, #tpu.memory_space<hbm>>, %arg3: memref<16x1024x1024xf32, #tpu.memory_space<hbm>>, %arg4: memref<63504xf32, #tpu.memory_space<vmem>>, %arg5: memref<3976xf32, #tpu.memory_space<vmem>>, %arg6: memref<16x1024xf32, #tpu.memory_space<vmem>>, %arg7: memref<16x1024xf32, #tpu.memory_space<vmem>>, %arg8: memref<!tpu.dma_semaphore, #tpu.memory_space<semaphore_mem>>, %arg9: memref<!tpu.dma_semaphore, #tpu.memory_space<semaphore_mem>>) attributes {dimension_semantics = [#tpu.dimension_semantics<core_parallel>, #tpu.dimension_semantics<subcore_parallel>], iteration_bounds = array<i64: 2, 16>, scalar_prefetch = 0 : i64, scratch_operands = 6 : i64, tpu.core_type = #tpu.core_type<sc_vector_subcore>, window_params = [{transform_indices = #map}, {transform_indices = #map1}]} {
    %mul3A = arith.constant 2 : i32
    %mul3A_0 = arith.muli %arg1, %mul3A : i32
    %add3A = arith.addi %mul3A_0, %arg0 : i32
    %jit3A = arith.constant 2 : i32
    %div3A = arith.divsi %add3A, %jit3A : i32
    %sign3A = arith.constant 0 : i32
    %sign3A_1 = arith.cmpi sgt, %add3A, %sign3A : i32
    %sign3A_2 = arith.extui %sign3A_1 : i1 to i32
    %sign3A_3 = arith.constant 0 : i32
    %sign3A_4 = arith.cmpi slt, %add3A, %sign3A_3 : i32
    %sign3A_5 = arith.extui %sign3A_4 : i1 to i32
    %sign3A_6 = arith.subi %sign3A_2, %sign3A_5 : i32
    %sign3A_7 = arith.constant 0 : i32
    %sign3A_8 = arith.cmpi sgt, %jit3A, %sign3A_7 : i32
    %sign3A_9 = arith.extui %sign3A_8 : i1 to i32
    %sign3A_10 = arith.constant 0 : i32
    %sign3A_11 = arith.cmpi slt, %jit3A, %sign3A_10 : i32
    %sign3A_12 = arith.extui %sign3A_11 : i1 to i32
    %sign3A_13 = arith.subi %sign3A_9, %sign3A_12 : i32
    %ne3A = arith.cmpi ne, %sign3A_6, %sign3A_13 : i32
    %rem3A = arith.remsi %add3A, %jit3A : i32
    %ne3A_14 = arith.constant 0 : i32
    %ne3A_15 = arith.cmpi ne, %rem3A, %ne3A_14 : i32
    %and3A = arith.andi %ne3A, %ne3A_15 : i1
    %sub3A = arith.constant 1 : i32
    %sub3A_16 = arith.subi %div3A, %sub3A : i32
    %select_n3A = arith.select %and3A, %sub3A_16, %div3A : i32
    %jit3A_17 = arith.constant 2 : i32
    %eq3A = arith.constant 0 : i32
    %eq3A_18 = arith.cmpi eq, %jit3A_17, %eq3A : i32
    %jit3A_19 = arith.constant 1 : i32
    %select_n3A_20 = arith.select %eq3A_18, %jit3A_19, %jit3A_17 : i32
    %rem3A_21 = arith.remsi %add3A, %select_n3A_20 : i32
    %ne3A_22 = arith.constant 0 : i32
    %ne3A_23 = arith.cmpi ne, %rem3A_21, %ne3A_22 : i32
    %lt3A = arith.constant 0 : i32
    %lt3A_24 = arith.cmpi slt, %rem3A_21, %lt3A : i32
    %lt3A_25 = arith.constant 0 : i32
    %lt3A_26 = arith.cmpi slt, %select_n3A_20, %lt3A_25 : i32
    %ne3A_27 = arith.xori %lt3A_24, %lt3A_26 : i1
    %and3A_28 = arith.andi %ne3A_27, %ne3A_23 : i1
    %add3A_29 = arith.addi %rem3A_21, %select_n3A_20 : i32
    %select_n3A_30 = arith.select %and3A_28, %add3A_29, %rem3A_21 : i32
    %mul3A_31 = arith.constant 16 : i32
    %mul3A_32 = arith.muli %select_n3A_30, %mul3A_31 : i32
    "tpu.region"() ({
      %run_scoped3A = tpu.sem_alloc : memref<!tpu.dma_semaphore, #tpu.memory_space<semaphore_mem>>
      tpu.enqueue_dma source(%arg2 : memref<63504xf32, #tpu.memory_space<hbm>>) target(%arg4 : memref<63504xf32, #tpu.memory_space<vmem>>) target_semaphore(%run_scoped3A : memref<!tpu.dma_semaphore, #tpu.memory_space<semaphore_mem>>)
      tpu.wait_dma2 semaphore(%run_scoped3A : memref<!tpu.dma_semaphore, #tpu.memory_space<semaphore_mem>>) src(%arg2 : memref<63504xf32, #tpu.memory_space<hbm>>) dst(%arg4 : memref<63504xf32, #tpu.memory_space<vmem>>)
      tpu.yield
    }) : () -> ()
    %iota3A = tpu.iota {dimensions = array<i32: 0>} : vector<16xi32>
    %mul3A_33 = arith.constant 16 : i32
    %mul3A_34 = vector.broadcast %mul3A_33 : i32 to vector<16xi32>
    %mul3A_35 = arith.muli %mul3A_34, %iota3A : vector<16xi32>
    %broadcast_in_dim3A = arith.constant 63 : i32
    %broadcast_in_dim3A_36 = vector.broadcast %broadcast_in_dim3A : i32 to vector<16xi32>
    %broadcast_in_dim3A_37 = arith.constant 32 : i32
    %broadcast_in_dim3A_38 = vector.broadcast %broadcast_in_dim3A_37 : i32 to vector<16xi32>
    %broadcast_in_dim3A_39 = vector.broadcast %select_n3A : i32 to vector<16xi32>
    %add3A_40 = arith.addi %broadcast_in_dim3A_39, %mul3A_35 : vector<16xi32>
    %scan3A = arith.constant 0 : i32
    %scan3A_41 = arith.constant 248 : i32
    %scan3A_42 = arith.addi %scan3A, %scan3A_41 : i32
    %scan3A_43 = arith.constant 1 : i32
    %scan3A_44 = scf.for %scan3A_76 = %scan3A to %scan3A_42 step %scan3A_43 iter_args(%scan3A_77 = %add3A_40) -> (vector<16xi32>)  : i32 {
      %gather3A_78 = tpu.vector_load_idx %arg4[%scan3A_77] : memref<63504xf32, #tpu.memory_space<vmem>>[vector<16xi32>], vector<16xf32>,
      %mul3A_79 = arith.constant 16 : i32
      %mul3A_80 = arith.muli %mul3A_79, %scan3A_76 : i32
      %add3A_81 = vector.broadcast %mul3A_80 : i32 to vector<16xi32>
      %add3A_82 = arith.addi %add3A_81, %iota3A : vector<16xi32>
      tpu.vector_store_idx %arg5[%add3A_82], %gather3A_78 : memref<3976xf32, #tpu.memory_space<vmem>>[vector<16xi32>], vector<16xf32>,
      %add3A_83 = arith.constant 256 : i32
      %add3A_84 = vector.broadcast %add3A_83 : i32 to vector<16xi32>
      %add3A_85 = arith.addi %scan3A_77, %add3A_84 : vector<16xi32>
      scf.yield %add3A_85 : vector<16xi32>
    }
    %scan3A_45 = arith.constant 248 : i32
    %broadcast_in_dim3A_46 = arith.constant 3953 : i32
    %broadcast_in_dim3A_47 = vector.broadcast %broadcast_in_dim3A_46 : i32 to vector<16xi32>
    %add3A_48 = arith.addi %broadcast_in_dim3A_47, %iota3A : vector<16xi32>
    %add3A_49 = arith.constant 63248 : i32
    %add3A_50 = arith.addi %add3A_49, %select_n3A : i32
    %broadcast_in_dim3A_51 = vector.broadcast %add3A_50 : i32 to vector<16xi32>
    %add3A_52 = arith.addi %broadcast_in_dim3A_51, %mul3A_35 : vector<16xi32>
    %gather3A = tpu.vector_load_idx %arg4[%add3A_52] : memref<63504xf32, #tpu.memory_space<vmem>>[vector<16xi32>], vector<16xf32>,
    tpu.vector_store_idx %arg5[%add3A_48], %gather3A : memref<3976xf32, #tpu.memory_space<vmem>>[vector<16xi32>], vector<16xf32>,
    %scan3A_53 = arith.constant 0 : i32
    %scan3A_54 = arith.constant 0 : i32
    %scan3A_55 = arith.constant 32 : i32
    %scan3A_56 = arith.addi %scan3A_54, %scan3A_55 : i32
    %scan3A_57 = arith.constant 1 : i32
    scf.for %scan3A_76 = %scan3A_54 to %scan3A_56 step %scan3A_57  : i32 {
      %mul3A_77 = arith.constant 32 : i32
      %mul3A_78 = arith.muli %mul3A_32, %mul3A_77 : i32
      %mul3A_79 = arith.constant 16 : i32
      %mul3A_80 = arith.muli %mul3A_79, %scan3A_76 : i32
      %add3A_81 = arith.addi %mul3A_78, %mul3A_80 : i32
      %jit3A_82 = arith.constant 2 : i32
      %eq3A_83 = arith.constant 0 : i32
      %eq3A_84 = arith.cmpi eq, %jit3A_82, %eq3A_83 : i32
      %jit3A_85 = arith.constant 1 : i32
      %select_n3A_86 = arith.select %eq3A_84, %jit3A_85, %jit3A_82 : i32
      %rem3A_87 = arith.remsi %scan3A_76, %select_n3A_86 : i32
      %ne3A_88 = arith.constant 0 : i32
      %ne3A_89 = arith.cmpi ne, %rem3A_87, %ne3A_88 : i32
      %lt3A_90 = arith.constant 0 : i32
      %lt3A_91 = arith.cmpi slt, %rem3A_87, %lt3A_90 : i32
      %lt3A_92 = arith.constant 0 : i32
      %lt3A_93 = arith.cmpi slt, %select_n3A_86, %lt3A_92 : i32
      %ne3A_94 = arith.xori %lt3A_91, %lt3A_93 : i1
      %and3A_95 = arith.andi %ne3A_94, %ne3A_89 : i1
      %add3A_96 = arith.addi %rem3A_87, %select_n3A_86 : i32
      %select_n3A_97 = arith.select %and3A_95, %add3A_96, %rem3A_87 : i32
      %eq3A_98 = arith.constant 0 : i32
      %eq3A_99 = arith.cmpi eq, %select_n3A_97, %eq3A_98 : i32
      %convert_element_type3A = arith.extui %eq3A_99 : i1 to i32
      %cond3A = arith.constant 0 : i32
      %cond3A_100 = arith.cmpi ne, %convert_element_type3A, %cond3A : i32
      scf.if %cond3A_100 {
        %ge3A = arith.constant 2 : i32
        %ge3A_122 = arith.cmpi sge, %scan3A_76, %ge3A : i32
        %convert_element_type3A_123 = arith.extui %ge3A_122 : i1 to i32
        %cond3A_124 = arith.constant 0 : i32
        %cond3A_125 = arith.cmpi ne, %convert_element_type3A_123, %cond3A_124 : i32
        scf.if %cond3A_125 {
          %dma_wait3A_177 = arith.constant 0 : i32
          %dma_wait3A_178 = arith.constant 0 : i32
          %dma_wait3A_179 = arith.constant 0 : i32
          %dma_wait3A_180 = tpu.memref_slice %arg3[%dma_wait3A_177, %dma_wait3A_178, %dma_wait3A_179] : memref<16x1024x1024xf32, #tpu.memory_space<hbm>> -> memref<1x16x1024xf32, #tpu.memory_space<hbm>>
          %dma_wait3A_181 = tpu.memref_squeeze %dma_wait3A_180 : memref<1x16x1024xf32, #tpu.memory_space<hbm>> -> memref<16x1024xf32, #tpu.memory_space<hbm>>
          %dma_wait3A_182 = arith.constant 0 : i32
          %dma_wait3A_183 = arith.constant 0 : i32
          %dma_wait3A_184 = tpu.memref_slice %arg3[%dma_wait3A_177, %dma_wait3A_182, %dma_wait3A_183] : memref<16x1024x1024xf32, #tpu.memory_space<hbm>> -> memref<1x16x1024xf32, #tpu.memory_space<hbm>>
          %dma_wait3A_185 = tpu.memref_squeeze %dma_wait3A_184 : memref<1x16x1024xf32, #tpu.memory_space<hbm>> -> memref<16x1024xf32, #tpu.memory_space<hbm>>
          tpu.wait_dma2 semaphore(%arg8 : memref<!tpu.dma_semaphore, #tpu.memory_space<semaphore_mem>>) src(%dma_wait3A_185 : memref<16x1024xf32, #tpu.memory_space<hbm>>) dst(%arg6 : memref<16x1024xf32, #tpu.memory_space<vmem>>)
        } else {
        }
        %jit3A_126 = arith.constant 32 : i32
        %div3A_127 = arith.divsi %add3A_81, %jit3A_126 : i32
        %sign3A_128 = arith.constant 0 : i32
        %sign3A_129 = arith.cmpi sgt, %add3A_81, %sign3A_128 : i32
        %sign3A_130 = arith.extui %sign3A_129 : i1 to i32
        %sign3A_131 = arith.constant 0 : i32
        %sign3A_132 = arith.cmpi slt, %add3A_81, %sign3A_131 : i32
        %sign3A_133 = arith.extui %sign3A_132 : i1 to i32
        %sign3A_134 = arith.subi %sign3A_130, %sign3A_133 : i32
        %sign3A_135 = arith.constant 0 : i32
        %sign3A_136 = arith.cmpi sgt, %jit3A_126, %sign3A_135 : i32
        %sign3A_137 = arith.extui %sign3A_136 : i1 to i32
        %sign3A_138 = arith.constant 0 : i32
        %sign3A_139 = arith.cmpi slt, %jit3A_126, %sign3A_138 : i32
        %sign3A_140 = arith.extui %sign3A_139 : i1 to i32
        %sign3A_141 = arith.subi %sign3A_137, %sign3A_140 : i32
        %ne3A_142 = arith.cmpi ne, %sign3A_134, %sign3A_141 : i32
        %rem3A_143 = arith.remsi %add3A_81, %jit3A_126 : i32
        %ne3A_144 = arith.constant 0 : i32
        %ne3A_145 = arith.cmpi ne, %rem3A_143, %ne3A_144 : i32
        %and3A_146 = arith.andi %ne3A_142, %ne3A_145 : i1
        %sub3A_147 = arith.constant 1 : i32
        %sub3A_148 = arith.subi %div3A_127, %sub3A_147 : i32
        %select_n3A_149 = arith.select %and3A_146, %sub3A_148, %div3A_127 : i32
        %jit3A_150 = arith.constant 32 : i32
        %eq3A_151 = arith.constant 0 : i32
        %eq3A_152 = arith.cmpi eq, %jit3A_150, %eq3A_151 : i32
        %jit3A_153 = arith.constant 1 : i32
        %select_n3A_154 = arith.select %eq3A_152, %jit3A_153, %jit3A_150 : i32
        %rem3A_155 = arith.remsi %add3A_81, %select_n3A_154 : i32
        %ne3A_156 = arith.constant 0 : i32
        %ne3A_157 = arith.cmpi ne, %rem3A_155, %ne3A_156 : i32
        %lt3A_158 = arith.constant 0 : i32
        %lt3A_159 = arith.cmpi slt, %rem3A_155, %lt3A_158 : i32
        %lt3A_160 = arith.constant 0 : i32
        %lt3A_161 = arith.cmpi slt, %select_n3A_154, %lt3A_160 : i32
        %ne3A_162 = arith.xori %lt3A_159, %lt3A_161 : i1
        %and3A_163 = arith.andi %ne3A_162, %ne3A_157 : i1
        %add3A_164 = arith.addi %rem3A_155, %select_n3A_154 : i32
        %select_n3A_165 = arith.select %and3A_163, %add3A_164, %rem3A_155 : i32
        %scan3A_166 = arith.constant 0 : i32
        %scan3A_167 = arith.constant 0 : i32
        %scan3A_168 = arith.constant 16 : i32
        %scan3A_169 = arith.addi %scan3A_167, %scan3A_168 : i32
        %scan3A_170 = arith.constant 1 : i32
        scf.for %scan3A_177 = %scan3A_167 to %scan3A_169 step %scan3A_170  : i32 {
          %add3A_178 = arith.addi %select_n3A_165, %scan3A_177 : i32
          %sub3A_179 = arith.constant 31 : i32
          %sub3A_180 = arith.subi %sub3A_179, %select_n3A_149 : i32
          %mul3A_181 = arith.constant 63 : i32
          %mul3A_182 = arith.muli %mul3A_181, %sub3A_180 : i32
          %sub3A_183 = arith.constant 3937 : i32
          %sub3A_184 = arith.subi %sub3A_183, %mul3A_182 : i32
          %add3A_185 = arith.addi %sub3A_184, %add3A_178 : i32
          %broadcast_in_dim3A_186 = vector.broadcast %scan3A_177 : i32 to vector<16xi32>
          %sub3A_187 = arith.constant 0 : i32
          %sub3A_188 = arith.subi %add3A_185, %sub3A_187 : i32
          %broadcast_in_dim3A_189 = vector.broadcast %sub3A_188 : i32 to vector<16xi32>
          %sub3A_190 = arith.subi %broadcast_in_dim3A_189, %iota3A : vector<16xi32>
          %add3A_191 = arith.constant 0 : i32
          %add3A_192 = vector.broadcast %add3A_191 : i32 to vector<16xi32>
          %add3A_193 = arith.addi %add3A_192, %iota3A : vector<16xi32>
          %scan3A_194 = arith.constant 0 : i32
          %scan3A_195 = arith.constant 4 : i32
          %scan3A_196 = arith.addi %scan3A_194, %scan3A_195 : i32
          %scan3A_197 = arith.constant 1 : i32
          %scan3A_198:2 = scf.for %scan3A_213 = %scan3A_194 to %scan3A_196 step %scan3A_197 iter_args(%scan3A_214 = %sub3A_190, %scan3A_215 = %add3A_193) -> (vector<16xi32>, vector<16xi32>)  : i32 {
            %sub3A_216 = arith.subi %scan3A_214, %broadcast_in_dim3A_36 : vector<16xi32>
            %add3A_217 = arith.addi %scan3A_215, %broadcast_in_dim3A_38 : vector<16xi32>
            %sub3A_218 = arith.subi %sub3A_216, %broadcast_in_dim3A_36 : vector<16xi32>
            %add3A_219 = arith.addi %add3A_217, %broadcast_in_dim3A_38 : vector<16xi32>
            %sub3A_220 = arith.subi %sub3A_218, %broadcast_in_dim3A_36 : vector<16xi32>
            %add3A_221 = arith.addi %add3A_219, %broadcast_in_dim3A_38 : vector<16xi32>
            %sub3A_222 = arith.subi %sub3A_220, %broadcast_in_dim3A_36 : vector<16xi32>
            %add3A_223 = arith.addi %add3A_221, %broadcast_in_dim3A_38 : vector<16xi32>
            %sub3A_224 = arith.subi %sub3A_222, %broadcast_in_dim3A_36 : vector<16xi32>
            %add3A_225 = arith.addi %add3A_223, %broadcast_in_dim3A_38 : vector<16xi32>
            %sub3A_226 = arith.subi %sub3A_224, %broadcast_in_dim3A_36 : vector<16xi32>
            %add3A_227 = arith.addi %add3A_225, %broadcast_in_dim3A_38 : vector<16xi32>
            %sub3A_228 = arith.subi %sub3A_226, %broadcast_in_dim3A_36 : vector<16xi32>
            %add3A_229 = arith.addi %add3A_227, %broadcast_in_dim3A_38 : vector<16xi32>
            %sub3A_230 = arith.subi %sub3A_228, %broadcast_in_dim3A_36 : vector<16xi32>
            %add3A_231 = arith.addi %add3A_229, %broadcast_in_dim3A_38 : vector<16xi32>
            %gather3A_232 = tpu.vector_load_idx %arg5[%scan3A_214] : memref<3976xf32, #tpu.memory_space<vmem>>[vector<16xi32>], vector<16xf32>,
            %gather3A_233 = tpu.vector_load_idx %arg5[%sub3A_216] : memref<3976xf32, #tpu.memory_space<vmem>>[vector<16xi32>], vector<16xf32>,
            %gather3A_234 = tpu.vector_load_idx %arg5[%sub3A_218] : memref<3976xf32, #tpu.memory_space<vmem>>[vector<16xi32>], vector<16xf32>,
            %gather3A_235 = tpu.vector_load_idx %arg5[%sub3A_220] : memref<3976xf32, #tpu.memory_space<vmem>>[vector<16xi32>], vector<16xf32>,
            %gather3A_236 = tpu.vector_load_idx %arg5[%sub3A_222] : memref<3976xf32, #tpu.memory_space<vmem>>[vector<16xi32>], vector<16xf32>,
            %gather3A_237 = tpu.vector_load_idx %arg5[%sub3A_224] : memref<3976xf32, #tpu.memory_space<vmem>>[vector<16xi32>], vector<16xf32>,
            %gather3A_238 = tpu.vector_load_idx %arg5[%sub3A_226] : memref<3976xf32, #tpu.memory_space<vmem>>[vector<16xi32>], vector<16xf32>,
            %gather3A_239 = tpu.vector_load_idx %arg5[%sub3A_228] : memref<3976xf32, #tpu.memory_space<vmem>>[vector<16xi32>], vector<16xf32>,
            tpu.vector_store_idx %arg6[%broadcast_in_dim3A_186, %scan3A_215], %gather3A_232 : memref<16x1024xf32, #tpu.memory_space<vmem>>[vector<16xi32>, vector<16xi32>], vector<16xf32>,
            tpu.vector_store_idx %arg6[%broadcast_in_dim3A_186, %add3A_217], %gather3A_233 : memref<16x1024xf32, #tpu.memory_space<vmem>>[vector<16xi32>, vector<16xi32>], vector<16xf32>,
            tpu.vector_store_idx %arg6[%broadcast_in_dim3A_186, %add3A_219], %gather3A_234 : memref<16x1024xf32, #tpu.memory_space<vmem>>[vector<16xi32>, vector<16xi32>], vector<16xf32>,
            tpu.vector_store_idx %arg6[%broadcast_in_dim3A_186, %add3A_221], %gather3A_235 : memref<16x1024xf32, #tpu.memory_space<vmem>>[vector<16xi32>, vector<16xi32>], vector<16xf32>,
            tpu.vector_store_idx %arg6[%broadcast_in_dim3A_186, %add3A_223], %gather3A_236 : memref<16x1024xf32, #tpu.memory_space<vmem>>[vector<16xi32>, vector<16xi32>], vector<16xf32>,
            tpu.vector_store_idx %arg6[%broadcast_in_dim3A_186, %add3A_225], %gather3A_237 : memref<16x1024xf32, #tpu.memory_space<vmem>>[vector<16xi32>, vector<16xi32>], vector<16xf32>,
            tpu.vector_store_idx %arg6[%broadcast_in_dim3A_186, %add3A_227], %gather3A_238 : memref<16x1024xf32, #tpu.memory_space<vmem>>[vector<16xi32>, vector<16xi32>], vector<16xf32>,
            tpu.vector_store_idx %arg6[%broadcast_in_dim3A_186, %add3A_229], %gather3A_239 : memref<16x1024xf32, #tpu.memory_space<vmem>>[vector<16xi32>, vector<16xi32>], vector<16xf32>,
            scf.yield %sub3A_230, %add3A_231 : vector<16xi32>, vector<16xi32>
          }
          %scan3A_199 = arith.constant 4 : i32
          %sub3A_200 = arith.constant 16 : i32
          %sub3A_201 = arith.subi %add3A_185, %sub3A_200 : i32
          %broadcast_in_dim3A_202 = vector.broadcast %sub3A_201 : i32 to vector<16xi32>
          %sub3A_203 = arith.subi %broadcast_in_dim3A_202, %iota3A : vector<16xi32>
          %add3A_204 = arith.constant 16 : i32
          %add3A_205 = vector.broadcast %add3A_204 : i32 to vector<16xi32>
          %add3A_206 = arith.addi %add3A_205, %iota3A : vector<16xi32>
          %scan3A_207 = arith.constant 0 : i32
          %scan3A_208 = arith.constant 4 : i32
          %scan3A_209 = arith.addi %scan3A_207, %scan3A_208 : i32
          %scan3A_210 = arith.constant 1 : i32
          %scan3A_211:2 = scf.for %scan3A_213 = %scan3A_207 to %scan3A_209 step %scan3A_210 iter_args(%scan3A_214 = %sub3A_203, %scan3A_215 = %add3A_206) -> (vector<16xi32>, vector<16xi32>)  : i32 {
            %sub3A_216 = arith.subi %scan3A_214, %broadcast_in_dim3A_36 : vector<16xi32>
            %add3A_217 = arith.addi %scan3A_215, %broadcast_in_dim3A_38 : vector<16xi32>
            %sub3A_218 = arith.subi %sub3A_216, %broadcast_in_dim3A_36 : vector<16xi32>
            %add3A_219 = arith.addi %add3A_217, %broadcast_in_dim3A_38 : vector<16xi32>
            %sub3A_220 = arith.subi %sub3A_218, %broadcast_in_dim3A_36 : vector<16xi32>
            %add3A_221 = arith.addi %add3A_219, %broadcast_in_dim3A_38 : vector<16xi32>
            %sub3A_222 = arith.subi %sub3A_220, %broadcast_in_dim3A_36 : vector<16xi32>
            %add3A_223 = arith.addi %add3A_221, %broadcast_in_dim3A_38 : vector<16xi32>
            %sub3A_224 = arith.subi %sub3A_222, %broadcast_in_dim3A_36 : vector<16xi32>
            %add3A_225 = arith.addi %add3A_223, %broadcast_in_dim3A_38 : vector<16xi32>
            %sub3A_226 = arith.subi %sub3A_224, %broadcast_in_dim3A_36 : vector<16xi32>
            %add3A_227 = arith.addi %add3A_225, %broadcast_in_dim3A_38 : vector<16xi32>
            %sub3A_228 = arith.subi %sub3A_226, %broadcast_in_dim3A_36 : vector<16xi32>
            %add3A_229 = arith.addi %add3A_227, %broadcast_in_dim3A_38 : vector<16xi32>
            %sub3A_230 = arith.subi %sub3A_228, %broadcast_in_dim3A_36 : vector<16xi32>
            %add3A_231 = arith.addi %add3A_229, %broadcast_in_dim3A_38 : vector<16xi32>
            %gather3A_232 = tpu.vector_load_idx %arg5[%scan3A_214] : memref<3976xf32, #tpu.memory_space<vmem>>[vector<16xi32>], vector<16xf32>,
            %gather3A_233 = tpu.vector_load_idx %arg5[%sub3A_216] : memref<3976xf32, #tpu.memory_space<vmem>>[vector<16xi32>], vector<16xf32>,
            %gather3A_234 = tpu.vector_load_idx %arg5[%sub3A_218] : memref<3976xf32, #tpu.memory_space<vmem>>[vector<16xi32>], vector<16xf32>,
            %gather3A_235 = tpu.vector_load_idx %arg5[%sub3A_220] : memref<3976xf32, #tpu.memory_space<vmem>>[vector<16xi32>], vector<16xf32>,
            %gather3A_236 = tpu.vector_load_idx %arg5[%sub3A_222] : memref<3976xf32, #tpu.memory_space<vmem>>[vector<16xi32>], vector<16xf32>,
            %gather3A_237 = tpu.vector_load_idx %arg5[%sub3A_224] : memref<3976xf32, #tpu.memory_space<vmem>>[vector<16xi32>], vector<16xf32>,
            %gather3A_238 = tpu.vector_load_idx %arg5[%sub3A_226] : memref<3976xf32, #tpu.memory_space<vmem>>[vector<16xi32>], vector<16xf32>,
            %gather3A_239 = tpu.vector_load_idx %arg5[%sub3A_228] : memref<3976xf32, #tpu.memory_space<vmem>>[vector<16xi32>], vector<16xf32>,
            tpu.vector_store_idx %arg6[%broadcast_in_dim3A_186, %scan3A_215], %gather3A_232 : memref<16x1024xf32, #tpu.memory_space<vmem>>[vector<16xi32>, vector<16xi32>], vector<16xf32>,
            tpu.vector_store_idx %arg6[%broadcast_in_dim3A_186, %add3A_217], %gather3A_233 : memref<16x1024xf32, #tpu.memory_space<vmem>>[vector<16xi32>, vector<16xi32>], vector<16xf32>,
            tpu.vector_store_idx %arg6[%broadcast_in_dim3A_186, %add3A_219], %gather3A_234 : memref<16x1024xf32, #tpu.memory_space<vmem>>[vector<16xi32>, vector<16xi32>], vector<16xf32>,
            tpu.vector_store_idx %arg6[%broadcast_in_dim3A_186, %add3A_221], %gather3A_235 : memref<16x1024xf32, #tpu.memory_space<vmem>>[vector<16xi32>, vector<16xi32>], vector<16xf32>,
            tpu.vector_store_idx %arg6[%broadcast_in_dim3A_186, %add3A_223], %gather3A_236 : memref<16x1024xf32, #tpu.memory_space<vmem>>[vector<16xi32>, vector<16xi32>], vector<16xf32>,
            tpu.vector_store_idx %arg6[%broadcast_in_dim3A_186, %add3A_225], %gather3A_237 : memref<16x1024xf32, #tpu.memory_space<vmem>>[vector<16xi32>, vector<16xi32>], vector<16xf32>,
            tpu.vector_store_idx %arg6[%broadcast_in_dim3A_186, %add3A_227], %gather3A_238 : memref<16x1024xf32, #tpu.memory_space<vmem>>[vector<16xi32>, vector<16xi32>], vector<16xf32>,
            tpu.vector_store_idx %arg6[%broadcast_in_dim3A_186, %add3A_229], %gather3A_239 : memref<16x1024xf32, #tpu.memory_space<vmem>>[vector<16xi32>, vector<16xi32>], vector<16xf32>,
            scf.yield %sub3A_230, %add3A_231 : vector<16xi32>, vector<16xi32>
          }
          %scan3A_212 = arith.constant 4 : i32
        }
        %scan3A_171 = arith.constant 16 : i32
        %dma_start3A = arith.constant 0 : i32
        %dma_start3A_172 = tpu.memref_slice %arg3[%select_n3A, %add3A_81, %dma_start3A] : memref<16x1024x1024xf32, #tpu.memory_space<hbm>> -> memref<1x16x1024xf32, #tpu.memory_space<hbm>>
        %dma_start3A_173 = tpu.memref_squeeze %dma_start3A_172 : memref<1x16x1024xf32, #tpu.memory_space<hbm>> -> memref<16x1024xf32, #tpu.memory_space<hbm>>
        %dma_start3A_174 = arith.constant 0 : i32
        %dma_start3A_175 = tpu.memref_slice %arg3[%select_n3A, %add3A_81, %dma_start3A_174] : memref<16x1024x1024xf32, #tpu.memory_space<hbm>> -> memref<1x16x1024xf32, #tpu.memory_space<hbm>>
        %dma_start3A_176 = tpu.memref_squeeze %dma_start3A_175 : memref<1x16x1024xf32, #tpu.memory_space<hbm>> -> memref<16x1024xf32, #tpu.memory_space<hbm>>
        tpu.enqueue_dma source(%arg6 : memref<16x1024xf32, #tpu.memory_space<vmem>>) target(%dma_start3A_176 : memref<16x1024xf32, #tpu.memory_space<hbm>>) target_semaphore(%arg8 : memref<!tpu.dma_semaphore, #tpu.memory_space<semaphore_mem>>)
      } else {
      }
      %jit3A_101 = arith.constant 2 : i32
      %eq3A_102 = arith.constant 0 : i32
      %eq3A_103 = arith.cmpi eq, %jit3A_101, %eq3A_102 : i32
      %jit3A_104 = arith.constant 1 : i32
      %select_n3A_105 = arith.select %eq3A_103, %jit3A_104, %jit3A_101 : i32
      %rem3A_106 = arith.remsi %scan3A_76, %select_n3A_105 : i32
      %ne3A_107 = arith.constant 0 : i32
      %ne3A_108 = arith.cmpi ne, %rem3A_106, %ne3A_107 : i32
      %lt3A_109 = arith.constant 0 : i32
      %lt3A_110 = arith.cmpi slt, %rem3A_106, %lt3A_109 : i32
      %lt3A_111 = arith.constant 0 : i32
      %lt3A_112 = arith.cmpi slt, %select_n3A_105, %lt3A_111 : i32
      %ne3A_113 = arith.xori %lt3A_110, %lt3A_112 : i1
      %and3A_114 = arith.andi %ne3A_113, %ne3A_108 : i1
      %add3A_115 = arith.addi %rem3A_106, %select_n3A_105 : i32
      %select_n3A_116 = arith.select %and3A_114, %add3A_115, %rem3A_106 : i32
      %eq3A_117 = arith.constant 1 : i32
      %eq3A_118 = arith.cmpi eq, %select_n3A_116, %eq3A_117 : i32
      %convert_element_type3A_119 = arith.extui %eq3A_118 : i1 to i32
      %cond3A_120 = arith.constant 0 : i32
      %cond3A_121 = arith.cmpi ne, %convert_element_type3A_119, %cond3A_120 : i32
      scf.if %cond3A_121 {
        %ge3A = arith.constant 2 : i32
        %ge3A_122 = arith.cmpi sge, %scan3A_76, %ge3A : i32
        %convert_element_type3A_123 = arith.extui %ge3A_122 : i1 to i32
        %cond3A_124 = arith.constant 0 : i32
        %cond3A_125 = arith.cmpi ne, %convert_element_type3A_123, %cond3A_124 : i32
        scf.if %cond3A_125 {
          %dma_wait3A_177 = arith.constant 0 : i32
          %dma_wait3A_178 = arith.constant 0 : i32
          %dma_wait3A_179 = arith.constant 0 : i32
          %dma_wait3A_180 = tpu.memref_slice %arg3[%dma_wait3A_177, %dma_wait3A_178, %dma_wait3A_179] : memref<16x1024x1024xf32, #tpu.memory_space<hbm>> -> memref<1x16x1024xf32, #tpu.memory_space<hbm>>
          %dma_wait3A_181 = tpu.memref_squeeze %dma_wait3A_180 : memref<1x16x1024xf32, #tpu.memory_space<hbm>> -> memref<16x1024xf32, #tpu.memory_space<hbm>>
          %dma_wait3A_182 = arith.constant 0 : i32
          %dma_wait3A_183 = arith.constant 0 : i32
          %dma_wait3A_184 = tpu.memref_slice %arg3[%dma_wait3A_177, %dma_wait3A_182, %dma_wait3A_183] : memref<16x1024x1024xf32, #tpu.memory_space<hbm>> -> memref<1x16x1024xf32, #tpu.memory_space<hbm>>
          %dma_wait3A_185 = tpu.memref_squeeze %dma_wait3A_184 : memref<1x16x1024xf32, #tpu.memory_space<hbm>> -> memref<16x1024xf32, #tpu.memory_space<hbm>>
          tpu.wait_dma2 semaphore(%arg9 : memref<!tpu.dma_semaphore, #tpu.memory_space<semaphore_mem>>) src(%dma_wait3A_185 : memref<16x1024xf32, #tpu.memory_space<hbm>>) dst(%arg6 : memref<16x1024xf32, #tpu.memory_space<vmem>>)
        } else {
        }
        %jit3A_126 = arith.constant 32 : i32
        %div3A_127 = arith.divsi %add3A_81, %jit3A_126 : i32
        %sign3A_128 = arith.constant 0 : i32
        %sign3A_129 = arith.cmpi sgt, %add3A_81, %sign3A_128 : i32
        %sign3A_130 = arith.extui %sign3A_129 : i1 to i32
        %sign3A_131 = arith.constant 0 : i32
        %sign3A_132 = arith.cmpi slt, %add3A_81, %sign3A_131 : i32
        %sign3A_133 = arith.extui %sign3A_132 : i1 to i32
        %sign3A_134 = arith.subi %sign3A_130, %sign3A_133 : i32
        %sign3A_135 = arith.constant 0 : i32
        %sign3A_136 = arith.cmpi sgt, %jit3A_126, %sign3A_135 : i32
        %sign3A_137 = arith.extui %sign3A_136 : i1 to i32
        %sign3A_138 = arith.constant 0 : i32
        %sign3A_139 = arith.cmpi slt, %jit3A_126, %sign3A_138 : i32
        %sign3A_140 = arith.extui %sign3A_139 : i1 to i32
        %sign3A_141 = arith.subi %sign3A_137, %sign3A_140 : i32
        %ne3A_142 = arith.cmpi ne, %sign3A_134, %sign3A_141 : i32
        %rem3A_143 = arith.remsi %add3A_81, %jit3A_126 : i32
        %ne3A_144 = arith.constant 0 : i32
        %ne3A_145 = arith.cmpi ne, %rem3A_143, %ne3A_144 : i32
        %and3A_146 = arith.andi %ne3A_142, %ne3A_145 : i1
        %sub3A_147 = arith.constant 1 : i32
        %sub3A_148 = arith.subi %div3A_127, %sub3A_147 : i32
        %select_n3A_149 = arith.select %and3A_146, %sub3A_148, %div3A_127 : i32
        %jit3A_150 = arith.constant 32 : i32
        %eq3A_151 = arith.constant 0 : i32
        %eq3A_152 = arith.cmpi eq, %jit3A_150, %eq3A_151 : i32
        %jit3A_153 = arith.constant 1 : i32
        %select_n3A_154 = arith.select %eq3A_152, %jit3A_153, %jit3A_150 : i32
        %rem3A_155 = arith.remsi %add3A_81, %select_n3A_154 : i32
        %ne3A_156 = arith.constant 0 : i32
        %ne3A_157 = arith.cmpi ne, %rem3A_155, %ne3A_156 : i32
        %lt3A_158 = arith.constant 0 : i32
        %lt3A_159 = arith.cmpi slt, %rem3A_155, %lt3A_158 : i32
        %lt3A_160 = arith.constant 0 : i32
        %lt3A_161 = arith.cmpi slt, %select_n3A_154, %lt3A_160 : i32
        %ne3A_162 = arith.xori %lt3A_159, %lt3A_161 : i1
        %and3A_163 = arith.andi %ne3A_162, %ne3A_157 : i1
        %add3A_164 = arith.addi %rem3A_155, %select_n3A_154 : i32
        %select_n3A_165 = arith.select %and3A_163, %add3A_164, %rem3A_155 : i32
        %scan3A_166 = arith.constant 0 : i32
        %scan3A_167 = arith.constant 0 : i32
        %scan3A_168 = arith.constant 16 : i32
        %scan3A_169 = arith.addi %scan3A_167, %scan3A_168 : i32
        %scan3A_170 = arith.constant 1 : i32
        scf.for %scan3A_177 = %scan3A_167 to %scan3A_169 step %scan3A_170  : i32 {
          %add3A_178 = arith.addi %select_n3A_165, %scan3A_177 : i32
          %sub3A_179 = arith.constant 31 : i32
          %sub3A_180 = arith.subi %sub3A_179, %select_n3A_149 : i32
          %mul3A_181 = arith.constant 63 : i32
          %mul3A_182 = arith.muli %mul3A_181, %sub3A_180 : i32
          %sub3A_183 = arith.constant 3937 : i32
          %sub3A_184 = arith.subi %sub3A_183, %mul3A_182 : i32
          %add3A_185 = arith.addi %sub3A_184, %add3A_178 : i32
          %broadcast_in_dim3A_186 = vector.broadcast %scan3A_177 : i32 to vector<16xi32>
          %sub3A_187 = arith.constant 0 : i32
          %sub3A_188 = arith.subi %add3A_185, %sub3A_187 : i32
          %broadcast_in_dim3A_189 = vector.broadcast %sub3A_188 : i32 to vector<16xi32>
          %sub3A_190 = arith.subi %broadcast_in_dim3A_189, %iota3A : vector<16xi32>
          %add3A_191 = arith.constant 0 : i32
          %add3A_192 = vector.broadcast %add3A_191 : i32 to vector<16xi32>
          %add3A_193 = arith.addi %add3A_192, %iota3A : vector<16xi32>
          %scan3A_194 = arith.constant 0 : i32
          %scan3A_195 = arith.constant 4 : i32
          %scan3A_196 = arith.addi %scan3A_194, %scan3A_195 : i32
          %scan3A_197 = arith.constant 1 : i32
          %scan3A_198:2 = scf.for %scan3A_213 = %scan3A_194 to %scan3A_196 step %scan3A_197 iter_args(%scan3A_214 = %sub3A_190, %scan3A_215 = %add3A_193) -> (vector<16xi32>, vector<16xi32>)  : i32 {
            %sub3A_216 = arith.subi %scan3A_214, %broadcast_in_dim3A_36 : vector<16xi32>
            %add3A_217 = arith.addi %scan3A_215, %broadcast_in_dim3A_38 : vector<16xi32>
            %sub3A_218 = arith.subi %sub3A_216, %broadcast_in_dim3A_36 : vector<16xi32>
            %add3A_219 = arith.addi %add3A_217, %broadcast_in_dim3A_38 : vector<16xi32>
            %sub3A_220 = arith.subi %sub3A_218, %broadcast_in_dim3A_36 : vector<16xi32>
            %add3A_221 = arith.addi %add3A_219, %broadcast_in_dim3A_38 : vector<16xi32>
            %sub3A_222 = arith.subi %sub3A_220, %broadcast_in_dim3A_36 : vector<16xi32>
            %add3A_223 = arith.addi %add3A_221, %broadcast_in_dim3A_38 : vector<16xi32>
            %sub3A_224 = arith.subi %sub3A_222, %broadcast_in_dim3A_36 : vector<16xi32>
            %add3A_225 = arith.addi %add3A_223, %broadcast_in_dim3A_38 : vector<16xi32>
            %sub3A_226 = arith.subi %sub3A_224, %broadcast_in_dim3A_36 : vector<16xi32>
            %add3A_227 = arith.addi %add3A_225, %broadcast_in_dim3A_38 : vector<16xi32>
            %sub3A_228 = arith.subi %sub3A_226, %broadcast_in_dim3A_36 : vector<16xi32>
            %add3A_229 = arith.addi %add3A_227, %broadcast_in_dim3A_38 : vector<16xi32>
            %sub3A_230 = arith.subi %sub3A_228, %broadcast_in_dim3A_36 : vector<16xi32>
            %add3A_231 = arith.addi %add3A_229, %broadcast_in_dim3A_38 : vector<16xi32>
            %gather3A_232 = tpu.vector_load_idx %arg5[%scan3A_214] : memref<3976xf32, #tpu.memory_space<vmem>>[vector<16xi32>], vector<16xf32>,
            %gather3A_233 = tpu.vector_load_idx %arg5[%sub3A_216] : memref<3976xf32, #tpu.memory_space<vmem>>[vector<16xi32>], vector<16xf32>,
            %gather3A_234 = tpu.vector_load_idx %arg5[%sub3A_218] : memref<3976xf32, #tpu.memory_space<vmem>>[vector<16xi32>], vector<16xf32>,
            %gather3A_235 = tpu.vector_load_idx %arg5[%sub3A_220] : memref<3976xf32, #tpu.memory_space<vmem>>[vector<16xi32>], vector<16xf32>,
            %gather3A_236 = tpu.vector_load_idx %arg5[%sub3A_222] : memref<3976xf32, #tpu.memory_space<vmem>>[vector<16xi32>], vector<16xf32>,
            %gather3A_237 = tpu.vector_load_idx %arg5[%sub3A_224] : memref<3976xf32, #tpu.memory_space<vmem>>[vector<16xi32>], vector<16xf32>,
            %gather3A_238 = tpu.vector_load_idx %arg5[%sub3A_226] : memref<3976xf32, #tpu.memory_space<vmem>>[vector<16xi32>], vector<16xf32>,
            %gather3A_239 = tpu.vector_load_idx %arg5[%sub3A_228] : memref<3976xf32, #tpu.memory_space<vmem>>[vector<16xi32>], vector<16xf32>,
            tpu.vector_store_idx %arg7[%broadcast_in_dim3A_186, %scan3A_215], %gather3A_232 : memref<16x1024xf32, #tpu.memory_space<vmem>>[vector<16xi32>, vector<16xi32>], vector<16xf32>,
            tpu.vector_store_idx %arg7[%broadcast_in_dim3A_186, %add3A_217], %gather3A_233 : memref<16x1024xf32, #tpu.memory_space<vmem>>[vector<16xi32>, vector<16xi32>], vector<16xf32>,
            tpu.vector_store_idx %arg7[%broadcast_in_dim3A_186, %add3A_219], %gather3A_234 : memref<16x1024xf32, #tpu.memory_space<vmem>>[vector<16xi32>, vector<16xi32>], vector<16xf32>,
            tpu.vector_store_idx %arg7[%broadcast_in_dim3A_186, %add3A_221], %gather3A_235 : memref<16x1024xf32, #tpu.memory_space<vmem>>[vector<16xi32>, vector<16xi32>], vector<16xf32>,
            tpu.vector_store_idx %arg7[%broadcast_in_dim3A_186, %add3A_223], %gather3A_236 : memref<16x1024xf32, #tpu.memory_space<vmem>>[vector<16xi32>, vector<16xi32>], vector<16xf32>,
            tpu.vector_store_idx %arg7[%broadcast_in_dim3A_186, %add3A_225], %gather3A_237 : memref<16x1024xf32, #tpu.memory_space<vmem>>[vector<16xi32>, vector<16xi32>], vector<16xf32>,
            tpu.vector_store_idx %arg7[%broadcast_in_dim3A_186, %add3A_227], %gather3A_238 : memref<16x1024xf32, #tpu.memory_space<vmem>>[vector<16xi32>, vector<16xi32>], vector<16xf32>,
            tpu.vector_store_idx %arg7[%broadcast_in_dim3A_186, %add3A_229], %gather3A_239 : memref<16x1024xf32, #tpu.memory_space<vmem>>[vector<16xi32>, vector<16xi32>], vector<16xf32>,
            scf.yield %sub3A_230, %add3A_231 : vector<16xi32>, vector<16xi32>
          }
          %scan3A_199 = arith.constant 4 : i32
          %sub3A_200 = arith.constant 16 : i32
          %sub3A_201 = arith.subi %add3A_185, %sub3A_200 : i32
          %broadcast_in_dim3A_202 = vector.broadcast %sub3A_201 : i32 to vector<16xi32>
          %sub3A_203 = arith.subi %broadcast_in_dim3A_202, %iota3A : vector<16xi32>
          %add3A_204 = arith.constant 16 : i32
          %add3A_205 = vector.broadcast %add3A_204 : i32 to vector<16xi32>
          %add3A_206 = arith.addi %add3A_205, %iota3A : vector<16xi32>
          %scan3A_207 = arith.constant 0 : i32
          %scan3A_208 = arith.constant 4 : i32
          %scan3A_209 = arith.addi %scan3A_207, %scan3A_208 : i32
          %scan3A_210 = arith.constant 1 : i32
          %scan3A_211:2 = scf.for %scan3A_213 = %scan3A_207 to %scan3A_209 step %scan3A_210 iter_args(%scan3A_214 = %sub3A_203, %scan3A_215 = %add3A_206) -> (vector<16xi32>, vector<16xi32>)  : i32 {
            %sub3A_216 = arith.subi %scan3A_214, %broadcast_in_dim3A_36 : vector<16xi32>
            %add3A_217 = arith.addi %scan3A_215, %broadcast_in_dim3A_38 : vector<16xi32>
            %sub3A_218 = arith.subi %sub3A_216, %broadcast_in_dim3A_36 : vector<16xi32>
            %add3A_219 = arith.addi %add3A_217, %broadcast_in_dim3A_38 : vector<16xi32>
            %sub3A_220 = arith.subi %sub3A_218, %broadcast_in_dim3A_36 : vector<16xi32>
            %add3A_221 = arith.addi %add3A_219, %broadcast_in_dim3A_38 : vector<16xi32>
            %sub3A_222 = arith.subi %sub3A_220, %broadcast_in_dim3A_36 : vector<16xi32>
            %add3A_223 = arith.addi %add3A_221, %broadcast_in_dim3A_38 : vector<16xi32>
            %sub3A_224 = arith.subi %sub3A_222, %broadcast_in_dim3A_36 : vector<16xi32>
            %add3A_225 = arith.addi %add3A_223, %broadcast_in_dim3A_38 : vector<16xi32>
            %sub3A_226 = arith.subi %sub3A_224, %broadcast_in_dim3A_36 : vector<16xi32>
            %add3A_227 = arith.addi %add3A_225, %broadcast_in_dim3A_38 : vector<16xi32>
            %sub3A_228 = arith.subi %sub3A_226, %broadcast_in_dim3A_36 : vector<16xi32>
            %add3A_229 = arith.addi %add3A_227, %broadcast_in_dim3A_38 : vector<16xi32>
            %sub3A_230 = arith.subi %sub3A_228, %broadcast_in_dim3A_36 : vector<16xi32>
            %add3A_231 = arith.addi %add3A_229, %broadcast_in_dim3A_38 : vector<16xi32>
            %gather3A_232 = tpu.vector_load_idx %arg5[%scan3A_214] : memref<3976xf32, #tpu.memory_space<vmem>>[vector<16xi32>], vector<16xf32>,
            %gather3A_233 = tpu.vector_load_idx %arg5[%sub3A_216] : memref<3976xf32, #tpu.memory_space<vmem>>[vector<16xi32>], vector<16xf32>,
            %gather3A_234 = tpu.vector_load_idx %arg5[%sub3A_218] : memref<3976xf32, #tpu.memory_space<vmem>>[vector<16xi32>], vector<16xf32>,
            %gather3A_235 = tpu.vector_load_idx %arg5[%sub3A_220] : memref<3976xf32, #tpu.memory_space<vmem>>[vector<16xi32>], vector<16xf32>,
            %gather3A_236 = tpu.vector_load_idx %arg5[%sub3A_222] : memref<3976xf32, #tpu.memory_space<vmem>>[vector<16xi32>], vector<16xf32>,
            %gather3A_237 = tpu.vector_load_idx %arg5[%sub3A_224] : memref<3976xf32, #tpu.memory_space<vmem>>[vector<16xi32>], vector<16xf32>,
            %gather3A_238 = tpu.vector_load_idx %arg5[%sub3A_226] : memref<3976xf32, #tpu.memory_space<vmem>>[vector<16xi32>], vector<16xf32>,
            %gather3A_239 = tpu.vector_load_idx %arg5[%sub3A_228] : memref<3976xf32, #tpu.memory_space<vmem>>[vector<16xi32>], vector<16xf32>,
            tpu.vector_store_idx %arg7[%broadcast_in_dim3A_186, %scan3A_215], %gather3A_232 : memref<16x1024xf32, #tpu.memory_space<vmem>>[vector<16xi32>, vector<16xi32>], vector<16xf32>,
            tpu.vector_store_idx %arg7[%broadcast_in_dim3A_186, %add3A_217], %gather3A_233 : memref<16x1024xf32, #tpu.memory_space<vmem>>[vector<16xi32>, vector<16xi32>], vector<16xf32>,
            tpu.vector_store_idx %arg7[%broadcast_in_dim3A_186, %add3A_219], %gather3A_234 : memref<16x1024xf32, #tpu.memory_space<vmem>>[vector<16xi32>, vector<16xi32>], vector<16xf32>,
            tpu.vector_store_idx %arg7[%broadcast_in_dim3A_186, %add3A_221], %gather3A_235 : memref<16x1024xf32, #tpu.memory_space<vmem>>[vector<16xi32>, vector<16xi32>], vector<16xf32>,
            tpu.vector_store_idx %arg7[%broadcast_in_dim3A_186, %add3A_223], %gather3A_236 : memref<16x1024xf32, #tpu.memory_space<vmem>>[vector<16xi32>, vector<16xi32>], vector<16xf32>,
            tpu.vector_store_idx %arg7[%broadcast_in_dim3A_186, %add3A_225], %gather3A_237 : memref<16x1024xf32, #tpu.memory_space<vmem>>[vector<16xi32>, vector<16xi32>], vector<16xf32>,
            tpu.vector_store_idx %arg7[%broadcast_in_dim3A_186, %add3A_227], %gather3A_238 : memref<16x1024xf32, #tpu.memory_space<vmem>>[vector<16xi32>, vector<16xi32>], vector<16xf32>,
            tpu.vector_store_idx %arg7[%broadcast_in_dim3A_186, %add3A_229], %gather3A_239 : memref<16x1024xf32, #tpu.memory_space<vmem>>[vector<16xi32>, vector<16xi32>], vector<16xf32>,
            scf.yield %sub3A_230, %add3A_231 : vector<16xi32>, vector<16xi32>
          }
          %scan3A_212 = arith.constant 4 : i32
        }
        %scan3A_171 = arith.constant 16 : i32
        %dma_start3A = arith.constant 0 : i32
        %dma_start3A_172 = tpu.memref_slice %arg3[%select_n3A, %add3A_81, %dma_start3A] : memref<16x1024x1024xf32, #tpu.memory_space<hbm>> -> memref<1x16x1024xf32, #tpu.memory_space<hbm>>
        %dma_start3A_173 = tpu.memref_squeeze %dma_start3A_172 : memref<1x16x1024xf32, #tpu.memory_space<hbm>> -> memref<16x1024xf32, #tpu.memory_space<hbm>>
        %dma_start3A_174 = arith.constant 0 : i32
        %dma_start3A_175 = tpu.memref_slice %arg3[%select_n3A, %add3A_81, %dma_start3A_174] : memref<16x1024x1024xf32, #tpu.memory_space<hbm>> -> memref<1x16x1024xf32, #tpu.memory_space<hbm>>
        %dma_start3A_176 = tpu.memref_squeeze %dma_start3A_175 : memref<1x16x1024xf32, #tpu.memory_space<hbm>> -> memref<16x1024xf32, #tpu.memory_space<hbm>>
        tpu.enqueue_dma source(%arg7 : memref<16x1024xf32, #tpu.memory_space<vmem>>) target(%dma_start3A_176 : memref<16x1024xf32, #tpu.memory_space<hbm>>) target_semaphore(%arg9 : memref<!tpu.dma_semaphore, #tpu.memory_space<semaphore_mem>>)
      } else {
      }
    }
    %scan3A_58 = arith.constant 32 : i32
    %dma_wait3A = arith.constant 0 : i32
    %dma_wait3A_59 = arith.constant 0 : i32
    %dma_wait3A_60 = arith.constant 0 : i32
    %dma_wait3A_61 = tpu.memref_slice %arg3[%dma_wait3A, %dma_wait3A_59, %dma_wait3A_60] : memref<16x1024x1024xf32, #tpu.memory_space<hbm>> -> memref<1x16x1024xf32, #tpu.memory_space<hbm>>
    %dma_wait3A_62 = tpu.memref_squeeze %dma_wait3A_61 : memref<1x16x1024xf32, #tpu.memory_space<hbm>> -> memref<16x1024xf32, #tpu.memory_space<hbm>>
    %dma_wait3A_63 = arith.constant 0 : i32
    %dma_wait3A_64 = arith.constant 0 : i32
    %dma_wait3A_65 = tpu.memref_slice %arg3[%dma_wait3A, %dma_wait3A_63, %dma_wait3A_64] : memref<16x1024x1024xf32, #tpu.memory_space<hbm>> -> memref<1x16x1024xf32, #tpu.memory_space<hbm>>
    %dma_wait3A_66 = tpu.memref_squeeze %dma_wait3A_65 : memref<1x16x1024xf32, #tpu.memory_space<hbm>> -> memref<16x1024xf32, #tpu.memory_space<hbm>>
    tpu.wait_dma2 semaphore(%arg8 : memref<!tpu.dma_semaphore, #tpu.memory_space<semaphore_mem>>) src(%dma_wait3A_66 : memref<16x1024xf32, #tpu.memory_space<hbm>>) dst(%arg6 : memref<16x1024xf32, #tpu.memory_space<vmem>>)
    %dma_wait3A_67 = arith.constant 0 : i32
    %dma_wait3A_68 = arith.constant 0 : i32
    %dma_wait3A_69 = arith.constant 0 : i32
    %dma_wait3A_70 = tpu.memref_slice %arg3[%dma_wait3A_67, %dma_wait3A_68, %dma_wait3A_69] : memref<16x1024x1024xf32, #tpu.memory_space<hbm>> -> memref<1x16x1024xf32, #tpu.memory_space<hbm>>
    %dma_wait3A_71 = tpu.memref_squeeze %dma_wait3A_70 : memref<1x16x1024xf32, #tpu.memory_space<hbm>> -> memref<16x1024xf32, #tpu.memory_space<hbm>>
    %dma_wait3A_72 = arith.constant 0 : i32
    %dma_wait3A_73 = arith.constant 0 : i32
    %dma_wait3A_74 = tpu.memref_slice %arg3[%dma_wait3A_67, %dma_wait3A_72, %dma_wait3A_73] : memref<16x1024x1024xf32, #tpu.memory_space<hbm>> -> memref<1x16x1024xf32, #tpu.memory_space<hbm>>
    %dma_wait3A_75 = tpu.memref_squeeze %dma_wait3A_74 : memref<1x16x1024xf32, #tpu.memory_space<hbm>> -> memref<16x1024xf32, #tpu.memory_space<hbm>>
    tpu.wait_dma2 semaphore(%arg9 : memref<!tpu.dma_semaphore, #tpu.memory_space<semaphore_mem>>) src(%dma_wait3A_75 : memref<16x1024xf32, #tpu.memory_space<hbm>>) dst(%arg6 : memref<16x1024xf32, #tpu.memory_space<vmem>>)
    return
  }
}

</mosaic_0001>

<sc_bundles>
// kernel: kernel.3.cloned.1.call-start
scs
__scs_entry_jumppad:
0x0: {  	(pc) =	sbr.rel $0x88, $3  }
0x1: {  	(tag) =	ssettag $0x0;
	lr =	simm.s32 $0x1  }
0x2: {  	[smem:$0x3FA0] =	sst lr;
	_ =	strace $0xD0000000  }
0x3: {  	_ = 	snop  }
0x4: {  	_ = 	snop  }
0x5: {  	_ = 	snop  }
0x6: {  	_ = 	snop  }
0x7: {  	_ = 	snop  }
__scs_overlays_trampoline_lowered:
0x8: {  	[smem:$0x3FAF] =	sst s0  }
0x9: {  	[smem:$0x3FB0] =	sst s1  }
0xa: {  	[smem:$0x3FB1] =	sst s2  }
0xb: {  	[smem:$0x3FB2] =	sst s3  }
0xc: {  	[smem:$0x3FB3] =	sst s4  }
0xd: {  	[smem:$0x3FB4] =	sst s5  }
0xe: {  	[smem:$0x3FB5] =	sst s6  }
0xf: {  	[smem:$0x3FB6] =	sst s7  }
0x10: {  	[smem:$0x3FB7] =	sst s8  }
0x11: {  	[smem:$0x3FB8] =	sst s9;
	s0 =	simm.s32 @!p0 $0x0  }
0x12: {  	s1 =	sld [smem:$0x3F9E];
	s0 =	simm.s32 @p0 $0x1  }
0x13: {  	[smem:$0x3FB9] =	sst s0;
	s0 =	simm.s32 @!p1 $0x0  }
0x14: {  	s2 =	sld [smem:$0x3F9D];
	s0 =	simm.s32 @p1 $0x1  }
0x15: {  	[smem:$0x3FBA] =	sst s0;
	s0 =	simm.s32 @!p2 $0x0  }
0x16: {  	s3 =	sld [smem:$0x3FDB];
	s0 =	simm.s32 @p2 $0x1  }
0x17: {  	s4 =	simm.s32 $0x1BF5;
	[smem:$0x3FBC] =	sst s0  }
0x18: {  	s0 =	sld [smem:$0x3F9F];
	_ =	swait.ge [sflag:s4], $0x0  }
0x19: {  	s7 =	sld [smem:$0x3FA0]  }
0x1a: {  	s8 =	sadd.s32 $0xFFFFE003, lr  }
0x1b: {  	s9 =	sadd.s32 $0xFFFFFEF7, lr;
	s5 =	simm.s32 $0xFFFFFFFF;
	p2 =	slt.u32 s8, $0xFFFFF086  }
0x1c: {  	p1 =	slt.u32 s9, $0xF7A;
	s5 =	simm.s32 @!p2 $0x0  }
0x1d: {  	s5 =	simm.s32 @p1 $0x1;
	p0 =	seq.s32 s7, s2  }
0x1e: {  	s7 =	smul.u32 @!p0 $0xF7A, s2;
	p2 =	seq.s32 @!p0 s5, $0x0  }
0x1f: {  	s9 =	smul.u32 $0xF7A, s1;
	s8 =	simm.s32 @!p0 $0x1BF5;
	p2 =	por !p2, p0  }
0x20: {  	[sflag:s8] =	ssyncset.s32 @!p0 $0xFFFFF086;
	s6 =	sadd.s32 @!p0 s3, s7;
	s7 =	simm.s32 @!p0 $0x108  }
0x21: {  	s3 =	sadd.s32 s3, s9;
	s6 =	sadd.s32 @!p0 $0x88, s6;
	s7 =	simm.s32 @p2 $0x1082  }
0x22: {  	[simem:s7], [sflag:s8] =	dma.local @!p0 [hbm:s6], $0xF7A  }
0x23: {  	s9 =	sor.u32 $0xD0000000, s2;
	s6 =	simm.s32 $0x108;
	_ =	swait.ge @!p0 [sflag:s8], $0x0  }
0x24: {  	s3 =	sadd.s32 $0x88, s3;
	s6 =	simm.s32 @!p1 $0x1082;
	[sflag:s4] =	ssyncset.s32 $0xFFFFF086  }
0x25: {  	[simem:s6], [sflag:s4] =	dma.local [hbm:s3], $0xF7A  }
0x26: {  	[smem:$0x3FA0] =	sst s1;
	(tag) =	ssettag s2;
	_ =	strace s9  }
0x27: {  	s1 =	sld [smem:$0x3FB0]  }
0x28: {  	s2 =	sld [smem:$0x3FB1]  }
0x29: {  	s4 =	sld [smem:$0x3FB3]  }
0x2a: {  	p0 =	seq.s32 s5, $0x0;
	s5 =	sld [smem:$0x3FB4]  }
0x2b: {  	s6 =	sld [smem:$0x3FB5]  }
0x2c: {  	s7 =	sld [smem:$0x3FB6]  }
0x2d: {  	s3 =	simm.s32 $0x108;
	s8 =	sld [smem:$0x3FB7]  }
0x2e: {  	s3 =	simm.s32 @!p0 $0x1082;
	s9 =	sld [smem:$0x3FB8]  }
0x2f: {  	lr =	sadd.s32 s0, s3;
	s0 =	sld [smem:$0x3FAF]  }
0x30: {  	s3 =	sld [smem:$0x3FB2]  }
0x31: {  	[smem:$0x3FBB] =	sst s10  }
0x32: {  	s10 =	sld [smem:$0x3FB9];
	_ =	sdelay $0x3  }
0x33: {  	p0 =	seq.s32 s10, $0x1;
	s10 =	sld [smem:$0x3FBB];
	_ =	sdelay $0x3  }
0x34: {  	[smem:$0x3FBB] =	sst s10  }
0x35: {  	s10 =	sld [smem:$0x3FBA];
	_ =	sdelay $0x3  }
0x36: {  	p1 =	seq.s32 s10, $0x1;
	s10 =	sld [smem:$0x3FBB];
	_ =	sdelay $0x3  }
0x37: {  	[smem:$0x3FBB] =	sst s10  }
0x38: {  	s10 =	sld [smem:$0x3FBC]  }
0x39: {  	_ = 	snop;
	(pc) =	sbr.ind lr, $3  }
0x3a: {  	_ = 	snop  }
0x3b: {  	_ = 	snop  }
0x3c: {  	p2 =	seq.s32 s10, $0x1;
	s10 =	sld [smem:$0x3FBB]  }
0x3d: {  	_ =	shalt  }
0x3e: {  	_ =	shalt  }
0x3f: {  	_ =	shalt  }
0x40: {  	_ =	shalt  }
0x41: {  	_ =	shalt  }
0x42: {  	_ =	shalt  }
0x43: {  	_ =	shalt  }
0x44: {  	_ =	shalt  }
0x45: {  	_ =	shalt  }
0x46: {  	_ =	shalt  }
0x47: {  	_ =	shalt  }
0x48: {  	_ =	shalt  }
0x49: {  	_ =	shalt  }
0x4a: {  	_ =	shalt  }
0x4b: {  	_ =	shalt  }
0x4c: {  	_ =	shalt  }
0x4d: {  	_ =	shalt  }
0x4e: {  	_ =	shalt  }
0x4f: {  	_ =	shalt  }
0x50: {  	_ =	shalt  }
0x51: {  	_ =	shalt  }
0x52: {  	_ =	shalt  }
0x53: {  	_ =	shalt  }
0x54: {  	_ =	shalt  }
0x55: {  	_ =	shalt  }
0x56: {  	_ =	shalt  }
0x57: {  	_ =	shalt  }
0x58: {  	_ =	shalt  }
0x59: {  	_ =	shalt  }
0x5a: {  	_ =	shalt  }
0x5b: {  	_ =	shalt  }
0x5c: {  	_ =	shalt  }
0x5d: {  	_ =	shalt  }
0x5e: {  	_ =	shalt  }
0x5f: {  	_ =	shalt  }
0x60: {  	_ =	shalt  }
0x61: {  	_ =	shalt  }
0x62: {  	_ =	shalt  }
0x63: {  	_ =	shalt  }
0x64: {  	_ =	shalt  }
0x65: {  	_ =	shalt  }
0x66: {  	_ =	shalt  }
0x67: {  	_ =	shalt  }
0x68: {  	_ =	shalt  }
0x69: {  	_ =	shalt  }
0x6a: {  	_ =	shalt  }
0x6b: {  	_ =	shalt  }
0x6c: {  	_ =	shalt  }
0x6d: {  	_ =	shalt  }
0x6e: {  	_ =	shalt  }
0x6f: {  	_ =	shalt  }
0x70: {  	_ =	shalt  }
0x71: {  	_ =	shalt  }
0x72: {  	_ =	shalt  }
0x73: {  	_ =	shalt  }
0x74: {  	_ =	shalt  }
0x75: {  	_ =	shalt  }
0x76: {  	_ =	shalt  }
0x77: {  	_ =	shalt  }
0x78: {  	_ =	shalt  }
0x79: {  	_ =	shalt  }
0x7a: {  	_ =	shalt  }
0x7b: {  	_ =	shalt  }
0x7c: {  	_ =	shalt  }
0x7d: {  	_ =	shalt  }
0x7e: {  	_ =	shalt  }
0x7f: {  	_ =	shalt  }
0x80: {  	_ =	shalt  }
0x81: {  	_ =	shalt  }
0x82: {  	_ =	shalt  }
0x83: {  	_ =	shalt  }
0x84: {  	_ =	shalt  }
0x85: {  	_ =	shalt  }
0x86: {  	_ =	shalt  }
0x87: {  	_ =	shalt  }
.Lfunc_end0:
.L_simem_size_0:
called_computation_lowered:
.L_overlay_start_0:
0x88: {  	s2 =	sld [smem:$0x3FD9]  }
0x89: {  	s3 =	sld [smem:$0x3FFE];
	_ =	sdelay $0x1  }
0x8a: {  	s1 =	srdreg.scid  }
0x8b: {  	s0 =	sand.u32 $0x1, s1  }
0x8c: {  	s17 =	sshll.u32 s0, $0xA;
	s2 =	sadd.s32 s3, s2  }
0x8d: {  	s2 =	sadd.s32 s2, s17  }
0x8e: {  	[smem:$0x3FC7] =	sst s2  }
0x8f: {  	_ = 	snop  }
0x90: {  	s2 =	sld [smem:$0x3FD0];
	(tm) =	ssettm $0x1  }
0x91: {  	s18 =	sld [smem:$0x3FFB];
	_ =	sdelay $0x3  }
0x92: {  	_ =	strace s18  }
0x93: {  	s3 =	sld [smem:$0x3FFC];
	_ =	sdelay $0x3  }
0x94: {  	_ =	strace s3  }
0x95: {  	s3 =	sld [smem:$0x3FFD];
	_ =	sdelay $0x3  }
0x96: {  	_ =	strace s3  }
0x97: {  	_ =	strace $0x8FFFFFFF  }
0x98: {  	s19 =	sld [smem:$0x3FDB];
	_ =	sdelay $0x1  }
0x99: {  	s4 =	simm.s32 $_scs_section_size  }
0x9a: {  	s5 =	simm.s32 $_size__tile_overlayer_lowered;
	s6 =	simm.s32 $_tile_overlayer_lowered  }
0x9b: {  	s22 =	simm.s32 $0x1BFF;
	s21 =	sshll.u32 s6, $0x1;
	s3 =	sadd.s32 s4, s19  }
0x9c: {  	s7 =	simm.s32 $0x0;
	s20 =	sshll.u32 s5, $0x1;
	s5 =	sadd.s32 s21, s3  }
0x9d: {  	[timem:s7], [sflag:s22] =	dma.local [hbm:s5], s20  }
0x9e: {  	_ =	swait.ge [sflag:s22], s20  }
0x9f: {  	s4 =	ssub.s32 $0x0, s20;
	[sflag:s22] =	ssyncset.done $0x0  }
0xa0: {  	[sflag:s22] =	ssyncadd.s32 s4;
	_ =	sdelay $0x1  }
0xa1: {  	s23 =	simm.s32 $0x1B8B  }
0xa2: {  	_ =	swait.ge [sflag:s23], $0x1  }
0xa3: {  	[sflag:s23] =	ssyncset.done $0x0  }
0xa4: {  	s25 =	simm.s32 $0x1B8E;
	s24 =	sld [smem:$0x3FFE];
	[sflag:s23] =	ssyncadd.s32 $0xFFFFFFFF  }
0xa5: {  	s26 =	simm.s32 $execute0_lowered;
	[smem:$0x3FD2] =	sst s25  }
0xa6: {  	s5 =	sshll.u32 s26, $0x1;
	_ =	strace $0x80000046;
	[dreg:$0x1] =	wrdreg $0xFFFFFFFF  }
0xa7: {  	s28 =	simm.s32 $_size_execute0_lowered;
	s3 =	sadd.s32 s3, s5;
	[dreg:$0x0] =	wrdreg $0x0  }
0xa8: {  	s5 =	sshll.u32 s28, $0x1;
	[dreg:$0x2] =	wrdreg s3  }
0xa9: {  	[dreg:$0x3] =	wrdreg s5  }
0xaa: {  	[dreg:$0x4] =	wrdreg $0xC0  }
0xab: {  	_ =	task [dreg:s7], $0x5FFFF  }
0xac: {  	[dreg:$0x1] =	wrdreg $0xFFFFFFFF  }
0xad: {  	[dreg:$0x0] =	wrdreg $0x60  }
0xae: {  	[dreg:$0x2] =	wrdreg s24  }
0xaf: {  	[dreg:$0x3] =	wrdreg s2  }
0xb0: {  	[dreg:$0x4] =	wrdreg $0x9  }
0xb1: {  	_ =	task.clear_ibuf [dreg:s7], $0x5FFFF;
	_ =	strace $0x90000046  }
0xb2: {  	s29 =	simm.s32 $0x9;
	_ =	strace $0x80000048  }
0xb3: {  	_ =	swait.ge [sflag:s29], $0x1  }
0xb4: {  	[sflag:s29] =	ssyncadd.s32 $0xFFFFFFFF  }
0xb5: {  	_ =	strace $0x90000048  }
0xb6: {  	_ =	sfence  }
0xb7: {  	s30 =	sld [smem:$0x0];
	_ =	sdelay $0x2  }
0xb8: {  	s31 =	sshll.u32 s1, $0xD;
	s1 =	sshrl.u32 s1, $0x2  }
0xb9: {  	s3 =	sand.u32 $0x4000, s31;
	s1 =	sadd.s32 s1, s30  }
0xba: {  	s0 =	sor.u32 s3, s0;
	s1 =	sshll.u32 s1, $0x11  }
0xbb: {  	s0 =	sor.u32 s1, s0  }
0xbc: {  	s0 =	sadd.s32 $0x8F2B, s0  }
0xbd: {  	[sflag:s0] =	ssyncadd.remote.s32 $0x1  }
0xbe: {  	_ =	sfence.sel $0xFFFF  }
0xbf: {  	[dreg:$0x0] =	wrdreg $0xFFFFFFFF;
	(pc) =	sbr.abs _section_cstart, $3  }
0xc0: {  	[dreg:$0x1] =	wrdreg $0xFFFFFFFF  }
0xc1: {  	_ =	task.clear_ibuf [dreg:s7], $0x2FFFF;
	_ =	strace $0x9FFFFFFF  }
0xc2: {  	(tm) =	ssettm $0x7FFFFFFF  }
0xc3: {  	_ =	shalt  }
tec
execute0_lowered:
.L_overlay_start_1:
0x0: {  	(tag) =	ssettag $0x1  }
0x1: {  	s1 =	srdreg.scid  }
0x2: {  	s0 =	stileid.u32;
	s6 =	sand.u32 $0x1, s1  }
0x3: {  	s1 =	sor.u32 s6, s0  }
0x4: {  	p1 =	seq.s32 s6, $0x1;
	p0 =	seq.s32 s1, $0x0  }
0x5: {  	p0 =	por !p0, !p1  }
0x6: {  	v0 =	vlaneseq.u32;
	s1 =	simm.s32 $0x1;
	p0 =	por !p0, !p0  }
0x7: {  	v3 =	vmul.u32 $0x10, v0;
	s1 =	simm.s32 @!p0 $0x0  }
0x8: {  	s7 =	ssub.s32 s0, s1  }
0x9: {  	s1 =	sadd.s32 $0xF710, s7;
	v2 =	vadd.s32 s7, v3  }
0xa: {  	v1 =	vmul.u32 $0xFFFFFFFF, v0;
	v32 =	vor.u32 $0x420, v0;
	[tilespmem:$0x1FEC0] =	vst v2;
	v2 =	vadd.s32 s1, v3  }
0xb: {  	v4 =	vor.u32 $0x460, v0;
	v27 =	vor.u32 $0x800, v0;
	[tilespmem:$0x1FED0] =	vst v2;
	v2 =	vadd.s32 $0xF71, v0  }
0xc: {  	v13 =	vor.u32 $0x820, v0;
	v14 =	vor.u32 $0x840, v0;
	[tilespmem:$0x1FEE0] =	vst v2;
	v2 =	vor.u32 $0x20, v0  }
0xd: {  	v57 =	vor.u32 $0x860, v0;
	v58 =	vor.u32 $0xC20, v0;
	[tilespmem:$0x1FEF0] =	vst v2;
	v2 =	vor.u32 $0x40, v0  }
0xe: {  	s4 =	rddreg [dreg:$0x0];
	v59 =	vor.u32 $0xC40, v0;
	v60 =	vor.u32 $0xC60, v0;
	[tilespmem:$0x1FF00] =	vst v2;
	v2 =	vor.u32 $0x60, v0  }
0xf: {  	s2 =	rddreg [dreg:$0x1];
	s3 =	simm.s32 $0x0;
	v42 =	vor.u32 $0x1000, v0;
	v61 =	vor.u32 $0x1020, v0;
	[tilespmem:$0x1FF10] =	vst v2;
	v2 =	vor.u32 $0x440, v0  }
0x10: {  	[smem:$0x7FF] =	sst s3;
	v46 =	vor.u32 $0x1040, v0;
	v33 =	vor.u32 $0x1060, v0;
	[tilespmem:$0x1FF20] =	vst v2;
	v2 =	vor.u32 $0x1460, v0  }
0x11: {  	v43 =	vor.u32 $0x1420, v0;
	v44 =	vor.u32 $0x1440, v0;
	v56 =	vor.u32 $0x1800, v0;
	s1 =	rddreg [dreg:$0x2];
	_ =	strace $0x80000047;
	[tilespmem:$0x1FF30] =	vst v2  }
0x12: {  	v48 =	vor.u32 $0x1840, v0;
	v45 =	vor.u32 $0x1C40, v0;
	v5 =	vadd.s32 $0xFFFFFFC1, v1;
	[tilespmem:$0x1FF70] =	vst v32  }
0x13: {  	v6 =	vadd.s32 $0xFFFFFF82, v1;
	v7 =	vadd.s32 $0xFFFFFF43, v1;
	v8 =	vadd.s32 $0xFFFFFF04, v1;
	[tilespmem:$0x1FF80] =	vst v48  }
0x14: {  	v9 =	vadd.s32 $0xFFFFFEC5, v1;
	v10 =	vadd.s32 $0xFFFFFE86, v1;
	v11 =	vadd.s32 $0xFFFFFE47, v1;
	[tilespmem:$0x1FF90] =	vst v45  }
0x15: {  	v12 =	vadd.s32 $0xFFFFFE08, v1;
	v19 =	vadd.s32 $0xFFFFFDC9, v1;
	v20 =	vadd.s32 $0xFFFFFD8A, v1;
	[tilespmem:$0x1FFA0] =	vst v44  }
0x16: {  	v21 =	vadd.s32 $0xFFFFFD4B, v1;
	v22 =	vadd.s32 $0xFFFFFD0C, v1;
	v23 =	vadd.s32 $0xFFFFFCCD, v1;
	[tilespmem:$0x1FFB0] =	vst v60  }
0x17: {  	v24 =	vadd.s32 $0xFFFFFC8E, v1;
	v25 =	vadd.s32 $0xFFFFFC4F, v1;
	v26 =	vadd.s32 $0xFFFFFC10, v1;
	[tilespmem:$0x1FFC0] =	vst v4  }
0x18: {  	v34 =	vadd.s32 $0xFFFFFBD1, v1;
	v35 =	vadd.s32 $0xFFFFFB92, v1;
	v36 =	vadd.s32 $0xFFFFFB53, v1;
	[tilespmem:$0x1FFD0] =	vst v14  }
.Ltmp0:
0x19: {  	s9 =	simm.s32 $0x3;
	s10 =	simm.s32 $0xF880;
	v37 =	vadd.s32 $0xFFFFFB14, v1;
	v38 =	vadd.s32 $0xFFFFFAD5, v1;
	v39 =	vadd.s32 $0xFFFFFA96, v1;
	[tilespmem:$0x1FFE0] =	vst v46;
	(pc) =	sbr.rel .LBB2_1-.Ltmp0, $4  }
0x1a: {  	s11 =	simm.s32 $0x14880;
	s12 =	simm.s32 $0x2;
	s5 =	ssub.s32 $0x2, s6;
	v40 =	vadd.s32 $0xFFFFFA57, v1;
	v41 =	vadd.s32 $0xFFFFFA18, v1;
	v2 =	vor.u32 $0x1820, v0;
	[tilespmem:$0x1FFF0] =	vst v43  }
0x1b: {  	s13 =	simm.s32 $0x10880;
	s14 =	simm.s32 $0x0;
	s8 =	sshrl.u32 s5, $0x1;
	v49 =	vadd.s32 $0xFFFFF9D9, v1;
	v50 =	vadd.s32 $0xFFFFF99A, v1;
	[tilespmem:$0x1FF40] =	vst v2;
	v2 =	vor.u32 $0x1860, v0  }
0x1c: {  	s4 =	sadd.s32 $0x400, s4;
	s6 =	sshll.u32 s6, $0x9;
	v51 =	vadd.s32 $0xFFFFF95B, v1;
	v52 =	vadd.s32 $0xFFFFF91C, v1;
	s8 =	ssub.s32 s5, s8;
	[tilespmem:$0x1FF50] =	vst v2;
	v2 =	vor.u32 $0x1C20, v0  }
0x1d: {  	v53 =	vadd.s32 $0xFFFFF8DD, v1;
	v54 =	vadd.s32 $0xFFFFF89E, v1;
	v55 =	vadd.s32 $0xFFFFF85F, v1;
	s5 =	simm.s32 $0x1;
	s8 =	smax.u32 s8, $0x1;
	s7 =	sshll.u32 s7, $0x14;
	[tilespmem:$0x1FF60] =	vst v2  }
.LBB2_12:
0x1e: {  	s14 =	sadd.s32 $0x1, s14  }
0x1f: {  	_ =	swait.ge [sflag:s5], $0x4000;
	p0 =	sne.s32 s14, s8  }
.Ltmp1:
0x20: {  	[sflag:s5] =	ssyncset.done $0x0;
	(pc) =	sbr.rel @!p0 .LBB2_13-.Ltmp1, $4  }
0x21: {  	[sflag:s5] =	ssyncadd.s32 $0xFFFFC000  }
0x22: {  	_ =	swait.ge [sflag:s12], $0x4000  }
0x23: {  	[sflag:s12] =	ssyncset.done $0x0  }
0x24: {  	[sflag:s12] =	ssyncadd.s32 $0xFFFFC000  }
.LBB2_1:
0x25: {  	[tilespmem:s3], [sflag:$0x3] =	stream.linear.gather [hbm4b:s4+s3], $0xF880, $0x38;
	[tilespmem:$0x18880] =	vst v63  }
0x26: {  	_ =	swait.ge [sflag:s9], $0xF880  }
0x27: {  	v63 =	vld [tilespmem:$0x1FEC0];
	_ =	sdelay $0x5  }
0x28: {  	[sflag:s9] =	ssyncset.done $0x0  }
0x29: {  	[sflag:s9] =	ssyncadd.s32 $0xFFFF0780  }
0x2a: {  	s15 =	simm.s32 $0x10;
	s16 =	simm.s32 $0x0;
	v62 =	vld.idx.msk [tilespmem:v63+s3+$0x0], $0xffff  }
.LBB2_2:
0x2b: {  	p0 =	sne.s32 s15, $0xF70;
	v3 =	vor.u32 s16, v0;
	s16 =	smov.u32 s15  }
0x2c: {  	v63 =	vadd.s32 $0x100, v63  }
.Ltmp2:
0x2d: {  	(pc) =	sbr.rel @p0 .LBB2_2-.Ltmp2, $3  }
0x2e: {  	_ =	sdelay $0x1  }
0x2f: {  	[tilespmem:v3+s10+$0x0] =	vst.idx.msk $0xffff, v62  }
0x30: {  	s15 =	sadd.s32 $0x10, s15;
	v62 =	vld.idx.msk [tilespmem:v63+s3+$0x0], $0xffff  }
0x31: {  	v2 =	vld [tilespmem:$0x1FED0];
	_ =	sdelay $0x1  }
0x32: {  	v3 =	vor.u32 s16, v0;
	_ =	sdelay $0x4  }
0x33: {  	s15 =	simm.s32 $0x0;
	[tilespmem:v3+s10+$0x0] =	vst.idx.msk $0xffff, v62  }
0x34: {  	v3 =	vld.idx.msk [tilespmem:v2+s15+$0x0], $0xffff  }
0x35: {  	v2 =	vld [tilespmem:$0x1FEE0];
	_ =	sdelay $0x3  }
.Ltmp3:
0x36: {  	_ = 	snop;
	(pc) =	sbr.rel .LBB2_4-.Ltmp3, $2  }
0x37: {  	_ =	sdelay $0x2  }
0x38: {  	p0 =	por $0x0, $0x0;
	s16 =	smov.u32 s6;
	[tilespmem:v2+s10+$0x0] =	vst.idx.msk $0xffff, v3  }
.LBB2_11:
0x39: {  	s15 =	sadd.s32 $0x1, s15  }
0x3a: {  	p1 =	sne.s32 s15, $0x20  }
.Ltmp4:
0x3b: {  	_ = 	snop;
	(pc) =	sbr.rel @!p1 .LBB2_12-.Ltmp4, $2  }
0x3c: {  	_ =	sdelay $0x2  }
0x3d: {  	s16 =	sadd.s32 $0x10, s16;
	p0 =	por !p0, !p0  }
.LBB2_4:
0x3e: {  	s20 =	sand.u32 $0x1, s15  }
0x3f: {  	p1 =	seq.s32 s20, $0x1  }
.Ltmp5:
0x40: {  	_ = 	snop;
	(pc) =	sbr.rel @p1 .LBB2_8-.Ltmp5, $4  }
0x41: {  	_ = 	snop  }
0x42: {  	s17 =	sshrl.u32 s16, $0x5  }
0x43: {  	s19 =	sshll.u32 s15, $0x4;
	s18 =	smul.u32 $0x3F, s17  }
0x44: {  	s17 =	sadd.s32 s6, s19  }
0x45: {  	p1 =	slt.u32 s15, $0x2  }
0x46: {  	s21 =	simm.s32 @!p1 $0x1  }
0x47: {  	_ =	swait.ge @!p1 [sflag:s21], $0x4000  }
0x48: {  	v60 =	vmov v57;
	v57 =	vmov v4;
	v44 =	vmov v61;
	[sflag:s21] =	ssyncset.done @!p1 $0x0  }
0x49: {  	v61 =	vmovc v58;
	v58 =	vmovc v13;
	v47 =	vmov v33;
	v33 =	vmov v59;
	v59 =	vmov v14;
	[sflag:s21] =	ssyncadd.s32 @!p1 $0xFFFFC000;
	s21 =	simm.s32 $0x0  }
.LBB2_6:
0x4a: {  	s22 =	sadd.s32 s21, s18  }
0x4b: {  	s23 =	sadd.s32 $0x7C0, s22  }
0x4c: {  	v3 =	vadd.s32 s23, v1  }
0x4d: {  	v62 =	vadd.s32 s23, v5  }
0x4e: {  	v28 =	vld [tilespmem:$0x1FEF0];
	v63 =	vadd.s32 s23, v6  }
0x4f: {  	v2 =	vmov s21;
	v29 =	vld [tilespmem:$0x1FF00];
	v4 =	vadd.s32 s23, v7  }
0x50: {  	v30 =	vld [tilespmem:$0x1FF10];
	v14 =	vshll.u32 v2, $0xA;
	v2 =	vshll.u32 v2, $0x7;
	v13 =	vadd.s32 s23, v8  }
0x51: {  	v15 =	vadd.s32 s23, v9;
	v14 =	vand.u32 $0x2000, v14;
	v2 =	vand.u32 $0x380, v2;
	v3 =	vld.idx.msk [tilespmem:v3+s10+$0x0], $0xffff  }
0x52: {  	v16 =	vadd.s32 s23, v10;
	v17 =	vld.idx.msk [tilespmem:v62+s10+$0x0], $0xffff;
	v62 =	vor.u32 v2, v14  }
0x53: {  	v2 =	vadd.s32 s23, v11;
	v14 =	vld.idx.msk [tilespmem:v63+s10+$0x0], $0xffff;
	v18 =	vor.u32 v0, v62  }
0x54: {  	v4 =	vld.idx.msk [tilespmem:v4+s10+$0x0], $0xffff;
	v28 =	vor.u32 v28, v62  }
0x55: {  	v13 =	vld.idx.msk [tilespmem:v13+s10+$0x0], $0xffff  }
0x56: {  	v15 =	vld.idx.msk [tilespmem:v15+s10+$0x0], $0xffff  }
0x57: {  	v16 =	vld.idx.msk [tilespmem:v16+s10+$0x0], $0xffff  }
0x58: {  	v2 =	vld.idx.msk [tilespmem:v2+s10+$0x0], $0xffff;
	[tilespmem:v18+s13+$0x0] =	vst.idx.msk $0xffff, v3  }
0x59: {  	[tilespmem:v28+s13+$0x0] =	vst.idx.msk $0xffff, v17;
	v17 =	vld [tilespmem:$0x1FF20]  }
0x5a: {  	v29 =	vor.u32 v29, v62  }
0x5b: {  	v63 =	vor.u32 $0x400, v62;
	v30 =	vor.u32 v30, v62  }
0x5c: {  	v31 =	vor.u32 v0, v63  }
0x5d: {  	v3 =	vor.u32 v32, v62  }
0x5e: {  	v17 =	vor.u32 v17, v62  }
0x5f: {  	[tilespmem:v29+s13+$0x0] =	vst.idx.msk $0xffff, v14;
	v14 =	vor.u32 v57, v62  }
0x60: {  	v18 =	vadd.s32 s23, v12;
	[tilespmem:v30+s13+$0x0] =	vst.idx.msk $0xffff, v4  }
0x61: {  	v4 =	vadd.s32 s23, v19;
	[tilespmem:v31+s13+$0x0] =	vst.idx.msk $0xffff, v13  }
0x62: {  	[tilespmem:v3+s13+$0x0] =	vst.idx.msk $0xffff, v15;
	v3 =	vadd.s32 s23, v20  }
0x63: {  	v13 =	vadd.s32 s23, v21;
	[tilespmem:v17+s13+$0x0] =	vst.idx.msk $0xffff, v16  }
0x64: {  	v16 =	vadd.s32 s23, v24;
	[tilespmem:v14+s13+$0x0] =	vst.idx.msk $0xffff, v2  }
0x65: {  	v17 =	vadd.s32 s23, v25;
	v15 =	vld.idx.msk [tilespmem:v18+s10+$0x0], $0xffff  }
0x66: {  	v2 =	vadd.s32 s23, v22;
	v4 =	vld.idx.msk [tilespmem:v4+s10+$0x0], $0xffff  }
0x67: {  	v14 =	vadd.s32 s23, v23;
	v3 =	vld.idx.msk [tilespmem:v3+s10+$0x0], $0xffff;
	v18 =	vor.u32 v27, v62  }
0x68: {  	v28 =	vor.u32 v58, v62;
	v13 =	vld.idx.msk [tilespmem:v13+s10+$0x0], $0xffff  }
0x69: {  	v29 =	vor.u32 v59, v62;
	v16 =	vld.idx.msk [tilespmem:v16+s10+$0x0], $0xffff  }
0x6a: {  	v17 =	vld.idx.msk [tilespmem:v17+s10+$0x0], $0xffff  }
0x6b: {  	v2 =	vld.idx.msk [tilespmem:v2+s10+$0x0], $0xffff  }
0x6c: {  	v14 =	vld.idx.msk [tilespmem:v14+s10+$0x0], $0xffff;
	[tilespmem:v18+s13+$0x0] =	vst.idx.msk $0xffff, v15  }
0x6d: {  	[tilespmem:v28+s13+$0x0] =	vst.idx.msk $0xffff, v4  }
0x6e: {  	[tilespmem:v29+s13+$0x0] =	vst.idx.msk $0xffff, v3;
	v3 =	vld [tilespmem:$0x1FFB0]  }
0x6f: {  	v30 =	vor.u32 v60, v62  }
0x70: {  	v31 =	vor.u32 v27, v63  }
0x71: {  	v15 =	vor.u32 v61, v62  }
0x72: {  	v4 =	vor.u32 v33, v62  }
0x73: {  	v3 =	vor.u32 v3, v62  }
0x74: {  	v18 =	vadd.s32 s23, v26;
	[tilespmem:v30+s13+$0x0] =	vst.idx.msk $0xffff, v13  }
0x75: {  	[tilespmem:v31+s13+$0x0] =	vst.idx.msk $0xffff, v2;
	v2 =	vadd.s32 s23, v34  }
0x76: {  	v13 =	vadd.s32 s23, v35;
	[tilespmem:v15+s13+$0x0] =	vst.idx.msk $0xffff, v14  }
0x77: {  	[tilespmem:v4+s13+$0x0] =	vst.idx.msk $0xffff, v16;
	v4 =	vadd.s32 s23, v36  }
0x78: {  	v14 =	vadd.s32 s23, v38;
	[tilespmem:v3+s13+$0x0] =	vst.idx.msk $0xffff, v17  }
0x79: {  	v16 =	vadd.s32 s23, v39;
	v15 =	vld.idx.msk [tilespmem:v18+s10+$0x0], $0xffff  }
0x7a: {  	v3 =	vadd.s32 s23, v37;
	v2 =	vld.idx.msk [tilespmem:v2+s10+$0x0], $0xffff  }
0x7b: {  	v17 =	vadd.s32 s23, v40;
	v13 =	vld.idx.msk [tilespmem:v13+s10+$0x0], $0xffff;
	v18 =	vor.u32 v42, v62  }
0x7c: {  	v28 =	vor.u32 v44, v62;
	v4 =	vld.idx.msk [tilespmem:v4+s10+$0x0], $0xffff  }
0x7d: {  	v29 =	vor.u32 v46, v62;
	v14 =	vld.idx.msk [tilespmem:v14+s10+$0x0], $0xffff  }
0x7e: {  	v16 =	vld.idx.msk [tilespmem:v16+s10+$0x0], $0xffff  }
0x7f: {  	v3 =	vld.idx.msk [tilespmem:v3+s10+$0x0], $0xffff  }
0x80: {  	v17 =	vld.idx.msk [tilespmem:v17+s10+$0x0], $0xffff;
	[tilespmem:v18+s13+$0x0] =	vst.idx.msk $0xffff, v15  }
0x81: {  	[tilespmem:v28+s13+$0x0] =	vst.idx.msk $0xffff, v2;
	v2 =	vld [tilespmem:$0x1FFA0]  }
0x82: {  	[tilespmem:v29+s13+$0x0] =	vst.idx.msk $0xffff, v13;
	v13 =	vld [tilespmem:$0x1FF30]  }
0x83: {  	v30 =	vor.u32 v47, v62  }
0x84: {  	v31 =	vor.u32 v42, v63  }
0x85: {  	v15 =	vor.u32 v43, v62  }
0x86: {  	v2 =	vor.u32 v2, v62  }
0x87: {  	v13 =	vor.u32 v13, v62  }
0x88: {  	v18 =	vadd.s32 s23, v41;
	[tilespmem:v30+s13+$0x0] =	vst.idx.msk $0xffff, v4  }
0x89: {  	[tilespmem:v31+s13+$0x0] =	vst.idx.msk $0xffff, v3;
	v3 =	vadd.s32 s23, v49  }
0x8a: {  	v4 =	vadd.s32 s23, v50;
	[tilespmem:v15+s13+$0x0] =	vst.idx.msk $0xffff, v14  }
0x8b: {  	v28 =	vld [tilespmem:$0x1FF40];
	v14 =	vadd.s32 s23, v53;
	[tilespmem:v2+s13+$0x0] =	vst.idx.msk $0xffff, v16  }
0x8c: {  	v30 =	vld [tilespmem:$0x1FF50];
	v2 =	vadd.s32 s23, v51;
	[tilespmem:v13+s13+$0x0] =	vst.idx.msk $0xffff, v17  }
0x8d: {  	v16 =	vadd.s32 s23, v54;
	v15 =	vld.idx.msk [tilespmem:v18+s10+$0x0], $0xffff  }
0x8e: {  	v13 =	vadd.s32 s23, v52;
	v3 =	vld.idx.msk [tilespmem:v3+s10+$0x0], $0xffff  }
0x8f: {  	v17 =	vadd.s32 s23, v55;
	v4 =	vld.idx.msk [tilespmem:v4+s10+$0x0], $0xffff  }
0x90: {  	v18 =	vor.u32 v56, v62;
	v14 =	vld.idx.msk [tilespmem:v14+s10+$0x0], $0xffff  }
0x91: {  	v2 =	vld.idx.msk [tilespmem:v2+s10+$0x0], $0xffff  }
0x92: {  	v16 =	vld.idx.msk [tilespmem:v16+s10+$0x0], $0xffff  }
0x93: {  	v13 =	vld.idx.msk [tilespmem:v13+s10+$0x0], $0xffff  }
0x94: {  	v17 =	vld.idx.msk [tilespmem:v17+s10+$0x0], $0xffff  }
0x95: {  	[tilespmem:v18+s13+$0x0] =	vst.idx.msk $0xffff, v15;
	v15 =	vld [tilespmem:$0x1FF60]  }
0x96: {  	v28 =	vor.u32 v28, v62  }
0x97: {  	v29 =	vor.u32 v48, v62  }
0x98: {  	v30 =	vor.u32 v30, v62  }
0x99: {  	v31 =	vor.u32 v56, v63  }
0x9a: {  	v15 =	vor.u32 v15, v62  }
0x9b: {  	v18 =	vor.u32 $0x1C60, v0;
	[tilespmem:v28+s13+$0x0] =	vst.idx.msk $0xffff, v3;
	v3 =	vor.u32 v45, v62  }
0x9c: {  	s22 =	sadd.s32 $0x7B0, s22;
	[tilespmem:v29+s13+$0x0] =	vst.idx.msk $0xffff, v4;
	v4 =	vor.u32 v18, v62  }
0x9d: {  	[tilespmem:v30+s13+$0x0] =	vst.idx.msk $0xffff, v2;
	v2 =	vadd.s32 s22, v1  }
0x9e: {  	[tilespmem:v31+s13+$0x0] =	vst.idx.msk $0xffff, v13;
	v13 =	vadd.s32 s22, v5  }
0x9f: {  	[tilespmem:v15+s13+$0x0] =	vst.idx.msk $0xffff, v14;
	v14 =	vadd.s32 s22, v6  }
0xa0: {  	v15 =	vadd.s32 s22, v9;
	[tilespmem:v3+s13+$0x0] =	vst.idx.msk $0xffff, v16  }
0xa1: {  	v3 =	vadd.s32 s22, v7;
	[tilespmem:v4+s13+$0x0] =	vst.idx.msk $0xffff, v17  }
0xa2: {  	v16 =	vadd.s32 s22, v10;
	v2 =	vld.idx.msk [tilespmem:v2+s10+$0x0], $0xffff  }
0xa3: {  	v18 =	vor.u32 $0x10, v0;
	v4 =	vadd.s32 s22, v8;
	v13 =	vld.idx.msk [tilespmem:v13+s10+$0x0], $0xffff  }
0xa4: {  	v29 =	vor.u32 $0x30, v0;
	v28 =	vor.u32 v18, v62;
	v17 =	vadd.s32 s22, v11;
	v14 =	vld.idx.msk [tilespmem:v14+s10+$0x0], $0xffff  }
0xa5: {  	v29 =	vor.u32 v29, v62;
	v30 =	vor.u32 $0x50, v0;
	v15 =	vld.idx.msk [tilespmem:v15+s10+$0x0], $0xffff  }
0xa6: {  	v30 =	vor.u32 v30, v62;
	v31 =	vor.u32 $0x70, v0;
	v3 =	vld.idx.msk [tilespmem:v3+s10+$0x0], $0xffff  }
0xa7: {  	v31 =	vor.u32 v31, v62;
	v16 =	vld.idx.msk [tilespmem:v16+s10+$0x0], $0xffff  }
0xa8: {  	v32 =	vor.u32 $0x430, v0;
	v18 =	vor.u32 v18, v63;
	v4 =	vld.idx.msk [tilespmem:v4+s10+$0x0], $0xffff  }
0xa9: {  	v17 =	vld.idx.msk [tilespmem:v17+s10+$0x0], $0xffff;
	[tilespmem:v28+s13+$0x0] =	vst.idx.msk $0xffff, v2;
	v2 =	vor.u32 v32, v62;
	v28 =	vor.u32 $0x450, v0  }
0xaa: {  	[tilespmem:v29+s13+$0x0] =	vst.idx.msk $0xffff, v13;
	v13 =	vor.u32 v28, v62;
	v28 =	vor.u32 $0x470, v0  }
0xab: {  	[tilespmem:v30+s13+$0x0] =	vst.idx.msk $0xffff, v14;
	v14 =	vor.u32 v28, v62  }
0xac: {  	v28 =	vadd.s32 s22, v12;
	[tilespmem:v31+s13+$0x0] =	vst.idx.msk $0xffff, v3  }
0xad: {  	v3 =	vadd.s32 s22, v19;
	[tilespmem:v18+s13+$0x0] =	vst.idx.msk $0xffff, v4  }
0xae: {  	v4 =	vadd.s32 s22, v21;
	[tilespmem:v2+s13+$0x0] =	vst.idx.msk $0xffff, v15  }
0xaf: {  	v2 =	vadd.s32 s22, v20;
	[tilespmem:v13+s13+$0x0] =	vst.idx.msk $0xffff, v16  }
0xb0: {  	v13 =	vadd.s32 s22, v22;
	[tilespmem:v14+s13+$0x0] =	vst.idx.msk $0xffff, v17  }
0xb1: {  	v16 =	vadd.s32 s22, v24;
	v15 =	vld.idx.msk [tilespmem:v28+s10+$0x0], $0xffff  }
0xb2: {  	v18 =	vor.u32 $0x810, v0;
	v14 =	vadd.s32 s22, v23;
	v3 =	vld.idx.msk [tilespmem:v3+s10+$0x0], $0xffff  }
0xb3: {  	v29 =	vor.u32 $0x830, v0;
	v17 =	vadd.s32 s22, v25;
	v28 =	vor.u32 v18, v62;
	v4 =	vld.idx.msk [tilespmem:v4+s10+$0x0], $0xffff  }
0xb4: {  	v29 =	vor.u32 v29, v62;
	v30 =	vor.u32 $0x850, v0;
	v2 =	vld.idx.msk [tilespmem:v2+s10+$0x0], $0xffff  }
0xb5: {  	v30 =	vor.u32 v30, v62;
	v31 =	vor.u32 $0x870, v0;
	v13 =	vld.idx.msk [tilespmem:v13+s10+$0x0], $0xffff  }
0xb6: {  	v31 =	vor.u32 v31, v62;
	v16 =	vld.idx.msk [tilespmem:v16+s10+$0x0], $0xffff  }
0xb7: {  	v32 =	vor.u32 $0xC30, v0;
	v18 =	vor.u32 v18, v63;
	v14 =	vld.idx.msk [tilespmem:v14+s10+$0x0], $0xffff  }
0xb8: {  	v17 =	vld.idx.msk [tilespmem:v17+s10+$0x0], $0xffff;
	[tilespmem:v28+s13+$0x0] =	vst.idx.msk $0xffff, v15;
	v15 =	vor.u32 v32, v62;
	v28 =	vor.u32 $0xC50, v0  }
0xb9: {  	[tilespmem:v29+s13+$0x0] =	vst.idx.msk $0xffff, v3;
	v3 =	vor.u32 v28, v62;
	v28 =	vor.u32 $0xC70, v0  }
0xba: {  	[tilespmem:v30+s13+$0x0] =	vst.idx.msk $0xffff, v2;
	v2 =	vor.u32 v28, v62  }
0xbb: {  	v28 =	vadd.s32 s22, v26;
	[tilespmem:v31+s13+$0x0] =	vst.idx.msk $0xffff, v4  }
0xbc: {  	v4 =	vadd.s32 s22, v34;
	[tilespmem:v18+s13+$0x0] =	vst.idx.msk $0xffff, v13  }
0xbd: {  	v13 =	vadd.s32 s22, v35;
	[tilespmem:v15+s13+$0x0] =	vst.idx.msk $0xffff, v14  }
0xbe: {  	v14 =	vadd.s32 s22, v38;
	[tilespmem:v3+s13+$0x0] =	vst.idx.msk $0xffff, v16  }
0xbf: {  	v3 =	vadd.s32 s22, v36;
	[tilespmem:v2+s13+$0x0] =	vst.idx.msk $0xffff, v17  }
0xc0: {  	v16 =	vadd.s32 s22, v39;
	v15 =	vld.idx.msk [tilespmem:v28+s10+$0x0], $0xffff  }
0xc1: {  	v18 =	vor.u32 $0x1010, v0;
	v2 =	vadd.s32 s22, v37;
	v4 =	vld.idx.msk [tilespmem:v4+s10+$0x0], $0xffff  }
0xc2: {  	v29 =	vor.u32 $0x1030, v0;
	v17 =	vadd.s32 s22, v40;
	v28 =	vor.u32 v18, v62;
	v13 =	vld.idx.msk [tilespmem:v13+s10+$0x0], $0xffff  }
0xc3: {  	v29 =	vor.u32 v29, v62;
	v30 =	vor.u32 $0x1050, v0;
	v14 =	vld.idx.msk [tilespmem:v14+s10+$0x0], $0xffff  }
0xc4: {  	v30 =	vor.u32 v30, v62;
	v31 =	vor.u32 $0x1070, v0;
	v3 =	vld.idx.msk [tilespmem:v3+s10+$0x0], $0xffff  }
0xc5: {  	v31 =	vor.u32 v31, v62;
	v16 =	vld.idx.msk [tilespmem:v16+s10+$0x0], $0xffff  }
0xc6: {  	v32 =	vor.u32 $0x1430, v0;
	v18 =	vor.u32 v18, v63;
	v2 =	vld.idx.msk [tilespmem:v2+s10+$0x0], $0xffff  }
0xc7: {  	v17 =	vld.idx.msk [tilespmem:v17+s10+$0x0], $0xffff;
	[tilespmem:v28+s13+$0x0] =	vst.idx.msk $0xffff, v15;
	v15 =	vor.u32 v32, v62;
	v28 =	vor.u32 $0x1450, v0  }
0xc8: {  	[tilespmem:v29+s13+$0x0] =	vst.idx.msk $0xffff, v4;
	v4 =	vor.u32 v28, v62;
	v28 =	vor.u32 $0x1470, v0  }
0xc9: {  	[tilespmem:v30+s13+$0x0] =	vst.idx.msk $0xffff, v13;
	v13 =	vor.u32 v28, v62  }
0xca: {  	v28 =	vadd.s32 s22, v41;
	[tilespmem:v31+s13+$0x0] =	vst.idx.msk $0xffff, v3  }
0xcb: {  	v3 =	vadd.s32 s22, v50;
	[tilespmem:v18+s13+$0x0] =	vst.idx.msk $0xffff, v2  }
0xcc: {  	v2 =	vadd.s32 s22, v49;
	[tilespmem:v15+s13+$0x0] =	vst.idx.msk $0xffff, v14  }
0xcd: {  	v14 =	vadd.s32 s22, v53;
	[tilespmem:v4+s13+$0x0] =	vst.idx.msk $0xffff, v16  }
0xce: {  	v4 =	vadd.s32 s22, v51;
	[tilespmem:v13+s13+$0x0] =	vst.idx.msk $0xffff, v17  }
0xcf: {  	v16 =	vadd.s32 s22, v54;
	v15 =	vld.idx.msk [tilespmem:v28+s10+$0x0], $0xffff  }
0xd0: {  	v18 =	vor.u32 $0x1810, v0;
	v13 =	vadd.s32 s22, v52;
	v3 =	vld.idx.msk [tilespmem:v3+s10+$0x0], $0xffff  }
0xd1: {  	v29 =	vor.u32 $0x1830, v0;
	v17 =	vadd.s32 s22, v55;
	v28 =	vor.u32 v18, v62;
	v2 =	vld.idx.msk [tilespmem:v2+s10+$0x0], $0xffff  }
0xd2: {  	v29 =	vor.u32 v29, v62;
	v30 =	vor.u32 $0x1850, v0;
	v14 =	vld.idx.msk [tilespmem:v14+s10+$0x0], $0xffff  }
0xd3: {  	v30 =	vor.u32 v30, v62;
	v31 =	vor.u32 $0x1870, v0;
	v4 =	vld.idx.msk [tilespmem:v4+s10+$0x0], $0xffff  }
0xd4: {  	v31 =	vor.u32 v31, v62;
	v16 =	vld.idx.msk [tilespmem:v16+s10+$0x0], $0xffff  }
0xd5: {  	v18 =	vor.u32 v18, v63;
	v63 =	vor.u32 $0x1C30, v0;
	v13 =	vld.idx.msk [tilespmem:v13+s10+$0x0], $0xffff  }
0xd6: {  	v17 =	vld.idx.msk [tilespmem:v17+s10+$0x0], $0xffff;
	[tilespmem:v28+s13+$0x0] =	vst.idx.msk $0xffff, v15;
	v15 =	vor.u32 v63, v62;
	v28 =	vor.u32 $0x1C50, v0  }
0xd7: {  	[tilespmem:v29+s13+$0x0] =	vst.idx.msk $0xffff, v2;
	v2 =	vor.u32 v28, v62;
	v28 =	vor.u32 $0x1C70, v0  }
0xd8: {  	p1 =	sne.s32 s21, $0xF;
	[tilespmem:v30+s13+$0x0] =	vst.idx.msk $0xffff, v3;
	v3 =	vor.u32 v28, v62  }
.Ltmp6:
0xd9: {  	[tilespmem:v31+s13+$0x0] =	vst.idx.msk $0xffff, v4;
	(pc) =	sbr.rel @p1 .LBB2_6-.Ltmp6, $4  }
0xda: {  	[tilespmem:v18+s13+$0x0] =	vst.idx.msk $0xffff, v13  }
0xdb: {  	[tilespmem:v15+s13+$0x0] =	vst.idx.msk $0xffff, v14  }
0xdc: {  	[tilespmem:v2+s13+$0x0] =	vst.idx.msk $0xffff, v16  }
0xdd: {  	s21 =	sadd.s32 $0x1, s21;
	v32 =	vld [tilespmem:$0x1FF70];
	[tilespmem:v3+s13+$0x0] =	vst.idx.msk $0xffff, v17  }
0xde: {  	p1 =	seq.s32 s20, $0x0  }
.Ltmp7:
0xdf: {  	s21 =	sshll.u32 s17, $0xA;
	(pc) =	sbr.rel @p1 .LBB2_11-.Ltmp7, $4  }
0xe0: {  	s21 =	sadd.s32 s7, s21  }
0xe1: {  	s21 =	sshrl.u32 s21, $0x3  }
0xe2: {  	v4 =	vmov v57;
	v13 =	vmov v58;
	v57 =	vmov v60;
	v60 =	vld [tilespmem:$0x1FFB0];
	s21 =	sadd.s32 s2, s21  }
0xe3: {  	v14 =	vmovc v59;
	v58 =	vmovc v61;
	v59 =	vmov v33;
	v61 =	vmov v44;
	v33 =	vmov v47;
	v44 =	vld [tilespmem:$0x1FFA0];
	[hbm4b:s21+s3] =	stream.linear.scatter [tilespmem:s13], [sflag:$0x1], $0x4000, $0x38  }
.LBB2_8:
0xe4: {  	s19 =	sshrl.u32 s19, $0x4  }
0xe5: {  	s19 =	sand.u32 $0x1, s19  }
0xe6: {  	p1 =	seq.s32 s17, $0x0;
	p2 =	seq.s32 s19, $0x1  }
0xe7: {  	p1 =	por !p1, !p2;
	p2 =	slt.u32 s15, $0x2  }
0xe8: {  	s20 =	simm.s32 $0x1;
	s21 =	simm.s32 @!p2 $0x2  }
0xe9: {  	s19 =	simm.s32 $0x1;
	p1 =	por !p1, !p1;
	_ =	swait.ge @!p2 [sflag:s21], $0x4000  }
0xea: {  	s19 =	simm.s32 @!p0 $0x0;
	s20 =	simm.s32 @!p1 $0x0;
	v46 =	vld [tilespmem:$0x1FF30]  }
0xeb: {  	s19 =	sshll.u32 s19, $0x4;
	s20 =	smul.u32 $0x3F, s20;
	v47 =	vld [tilespmem:$0x1FF40]  }
0xec: {  	s18 =	sadd.s32 s19, s18;
	[sflag:s21] =	ssyncset.done @!p2 $0x0;
	v48 =	vld [tilespmem:$0x1FF50]  }
0xed: {  	v45 =	vmov v13;
	s19 =	simm.s32 $0x0;
	v43 =	vld [tilespmem:$0x1FF60];
	[sflag:s21] =	ssyncadd.s32 @!p2 $0xFFFFC000;
	s18 =	ssub.s32 s18, s20  }
.LBB2_9:
0xee: {  	s20 =	sadd.s32 s19, s18  }
0xef: {  	s21 =	sadd.s32 $0x7C0, s20  }
0xf0: {  	v2 =	vadd.s32 s21, v1  }
0xf1: {  	v3 =	vadd.s32 s21, v5  }
0xf2: {  	v28 =	vld [tilespmem:$0x1FEF0];
	v4 =	vadd.s32 s21, v6  }
0xf3: {  	v14 =	vmov s19;
	v29 =	vld [tilespmem:$0x1FF00];
	v13 =	vadd.s32 s21, v7  }
0xf4: {  	v30 =	vld [tilespmem:$0x1FF10];
	v16 =	vshll.u32 v14, $0xA;
	v14 =	vshll.u32 v14, $0x7;
	v15 =	vadd.s32 s21, v8  }
0xf5: {  	v17 =	vadd.s32 s21, v9;
	v16 =	vand.u32 $0x2000, v16;
	v14 =	vand.u32 $0x380, v14;
	v2 =	vld.idx.msk [tilespmem:v2+s10+$0x0], $0xffff  }
0xf6: {  	v18 =	vadd.s32 s21, v10;
	v62 =	vor.u32 v14, v16;
	v3 =	vld.idx.msk [tilespmem:v3+s10+$0x0], $0xffff  }
0xf7: {  	v14 =	vadd.s32 s21, v11;
	v16 =	vor.u32 v0, v62;
	v4 =	vld.idx.msk [tilespmem:v4+s10+$0x0], $0xffff  }
0xf8: {  	v28 =	vor.u32 v28, v62;
	v13 =	vld.idx.msk [tilespmem:v13+s10+$0x0], $0xffff  }
0xf9: {  	v29 =	vor.u32 v29, v62;
	v15 =	vld.idx.msk [tilespmem:v15+s10+$0x0], $0xffff  }
0xfa: {  	v17 =	vld.idx.msk [tilespmem:v17+s10+$0x0], $0xffff  }
0xfb: {  	v18 =	vld.idx.msk [tilespmem:v18+s10+$0x0], $0xffff  }
0xfc: {  	v14 =	vld.idx.msk [tilespmem:v14+s10+$0x0], $0xffff;
	[tilespmem:v16+s11+$0x0] =	vst.idx.msk $0xffff, v2  }
0xfd: {  	[tilespmem:v28+s11+$0x0] =	vst.idx.msk $0xffff, v3;
	v3 =	vld [tilespmem:$0x1FF20]  }
0xfe: {  	[tilespmem:v29+s11+$0x0] =	vst.idx.msk $0xffff, v4;
	v4 =	vld [tilespmem:$0x1FFC0]  }
0xff: {  	v63 =	vor.u32 $0x400, v62;
	v30 =	vor.u32 v30, v62  }
0x100: {  	v31 =	vor.u32 v0, v63  }
0x101: {  	v2 =	vor.u32 v32, v62  }
0x102: {  	v3 =	vor.u32 v3, v62  }
0x103: {  	v4 =	vor.u32 v4, v62  }
0x104: {  	v16 =	vadd.s32 s21, v12;
	[tilespmem:v30+s11+$0x0] =	vst.idx.msk $0xffff, v13  }
0x105: {  	v13 =	vadd.s32 s21, v19;
	[tilespmem:v31+s11+$0x0] =	vst.idx.msk $0xffff, v15  }
0x106: {  	[tilespmem:v2+s11+$0x0] =	vst.idx.msk $0xffff, v17;
	v2 =	vadd.s32 s21, v20  }
0x107: {  	v17 =	vadd.s32 s21, v25;
	[tilespmem:v3+s11+$0x0] =	vst.idx.msk $0xffff, v18  }
0x108: {  	v29 =	vld [tilespmem:$0x1FFD0];
	v3 =	vadd.s32 s21, v21;
	[tilespmem:v4+s11+$0x0] =	vst.idx.msk $0xffff, v14  }
0x109: {  	v4 =	vadd.s32 s21, v22;
	v15 =	vld.idx.msk [tilespmem:v16+s10+$0x0], $0xffff  }
0x10a: {  	v14 =	vadd.s32 s21, v23;
	v13 =	vld.idx.msk [tilespmem:v13+s10+$0x0], $0xffff  }
0x10b: {  	v18 =	vor.u32 v27, v62;
	v16 =	vadd.s32 s21, v24;
	v2 =	vld.idx.msk [tilespmem:v2+s10+$0x0], $0xffff  }
0x10c: {  	v28 =	vor.u32 v45, v62;
	v17 =	vld.idx.msk [tilespmem:v17+s10+$0x0], $0xffff  }
0x10d: {  	v29 =	vor.u32 v29, v62;
	v3 =	vld.idx.msk [tilespmem:v3+s10+$0x0], $0xffff  }
0x10e: {  	v30 =	vor.u32 v57, v62;
	v4 =	vld.idx.msk [tilespmem:v4+s10+$0x0], $0xffff  }
0x10f: {  	v31 =	vor.u32 v27, v63;
	v14 =	vld.idx.msk [tilespmem:v14+s10+$0x0], $0xffff  }
0x110: {  	v16 =	vld.idx.msk [tilespmem:v16+s10+$0x0], $0xffff;
	[tilespmem:v18+s11+$0x0] =	vst.idx.msk $0xffff, v15;
	v15 =	vor.u32 v58, v62  }
0x111: {  	[tilespmem:v28+s11+$0x0] =	vst.idx.msk $0xffff, v13;
	v13 =	vor.u32 v59, v62  }
0x112: {  	[tilespmem:v29+s11+$0x0] =	vst.idx.msk $0xffff, v2;
	v2 =	vor.u32 v60, v62  }
0x113: {  	v18 =	vadd.s32 s21, v26;
	[tilespmem:v30+s11+$0x0] =	vst.idx.msk $0xffff, v3  }
0x114: {  	v3 =	vadd.s32 s21, v34;
	[tilespmem:v31+s11+$0x0] =	vst.idx.msk $0xffff, v4  }
0x115: {  	v4 =	vadd.s32 s21, v35;
	[tilespmem:v15+s11+$0x0] =	vst.idx.msk $0xffff, v14  }
0x116: {  	v14 =	vadd.s32 s21, v38;
	[tilespmem:v13+s11+$0x0] =	vst.idx.msk $0xffff, v16  }
0x117: {  	v29 =	vld [tilespmem:$0x1FFE0];
	v13 =	vadd.s32 s21, v36;
	[tilespmem:v2+s11+$0x0] =	vst.idx.msk $0xffff, v17  }
0x118: {  	v16 =	vadd.s32 s21, v39;
	v15 =	vld.idx.msk [tilespmem:v18+s10+$0x0], $0xffff  }
0x119: {  	v2 =	vadd.s32 s21, v37;
	v3 =	vld.idx.msk [tilespmem:v3+s10+$0x0], $0xffff  }
0x11a: {  	v17 =	vadd.s32 s21, v40;
	v4 =	vld.idx.msk [tilespmem:v4+s10+$0x0], $0xffff  }
0x11b: {  	v18 =	vor.u32 v42, v62;
	v14 =	vld.idx.msk [tilespmem:v14+s10+$0x0], $0xffff  }
0x11c: {  	v13 =	vld.idx.msk [tilespmem:v13+s10+$0x0], $0xffff  }
0x11d: {  	v16 =	vld.idx.msk [tilespmem:v16+s10+$0x0], $0xffff  }
0x11e: {  	v2 =	vld.idx.msk [tilespmem:v2+s10+$0x0], $0xffff  }
0x11f: {  	v17 =	vld.idx.msk [tilespmem:v17+s10+$0x0], $0xffff  }
0x120: {  	[tilespmem:v18+s11+$0x0] =	vst.idx.msk $0xffff, v15;
	v15 =	vld [tilespmem:$0x1FFF0]  }
0x121: {  	v28 =	vor.u32 v61, v62  }
0x122: {  	v29 =	vor.u32 v29, v62  }
0x123: {  	v30 =	vor.u32 v33, v62  }
0x124: {  	v31 =	vor.u32 v42, v63  }
0x125: {  	v15 =	vor.u32 v15, v62  }
0x126: {  	[tilespmem:v28+s11+$0x0] =	vst.idx.msk $0xffff, v3;
	v3 =	vor.u32 v44, v62  }
0x127: {  	[tilespmem:v29+s11+$0x0] =	vst.idx.msk $0xffff, v4;
	v4 =	vor.u32 v46, v62  }
0x128: {  	v18 =	vadd.s32 s21, v41;
	[tilespmem:v30+s11+$0x0] =	vst.idx.msk $0xffff, v13  }
0x129: {  	[tilespmem:v31+s11+$0x0] =	vst.idx.msk $0xffff, v2;
	v2 =	vadd.s32 s21, v49  }
0x12a: {  	v13 =	vadd.s32 s21, v50;
	[tilespmem:v15+s11+$0x0] =	vst.idx.msk $0xffff, v14  }
0x12b: {  	v14 =	vadd.s32 s21, v53;
	[tilespmem:v3+s11+$0x0] =	vst.idx.msk $0xffff, v16  }
0x12c: {  	v29 =	vld [tilespmem:$0x1FF80];
	v3 =	vadd.s32 s21, v51;
	[tilespmem:v4+s11+$0x0] =	vst.idx.msk $0xffff, v17  }
0x12d: {  	v16 =	vadd.s32 s21, v54;
	v15 =	vld.idx.msk [tilespmem:v18+s10+$0x0], $0xffff  }
0x12e: {  	v4 =	vadd.s32 s21, v52;
	v2 =	vld.idx.msk [tilespmem:v2+s10+$0x0], $0xffff  }
0x12f: {  	v17 =	vadd.s32 s21, v55;
	v13 =	vld.idx.msk [tilespmem:v13+s10+$0x0], $0xffff;
	v18 =	vor.u32 v56, v62  }
0x130: {  	v28 =	vor.u32 v47, v62;
	v14 =	vld.idx.msk [tilespmem:v14+s10+$0x0], $0xffff  }
0x131: {  	v3 =	vld.idx.msk [tilespmem:v3+s10+$0x0], $0xffff  }
0x132: {  	v16 =	vld.idx.msk [tilespmem:v16+s10+$0x0], $0xffff  }
0x133: {  	v4 =	vld.idx.msk [tilespmem:v4+s10+$0x0], $0xffff  }
0x134: {  	v17 =	vld.idx.msk [tilespmem:v17+s10+$0x0], $0xffff;
	[tilespmem:v18+s11+$0x0] =	vst.idx.msk $0xffff, v15  }
0x135: {  	[tilespmem:v28+s11+$0x0] =	vst.idx.msk $0xffff, v2;
	v2 =	vld [tilespmem:$0x1FF90]  }
0x136: {  	v29 =	vor.u32 v29, v62  }
0x137: {  	v30 =	vor.u32 v48, v62  }
0x138: {  	v31 =	vor.u32 v56, v63  }
0x139: {  	v15 =	vor.u32 v43, v62  }
0x13a: {  	v18 =	vor.u32 $0x1C60, v0;
	v2 =	vor.u32 v2, v62  }
0x13b: {  	s20 =	sadd.s32 $0x7B0, s20;
	[tilespmem:v29+s11+$0x0] =	vst.idx.msk $0xffff, v13;
	v13 =	vor.u32 v18, v62  }
0x13c: {  	[tilespmem:v30+s11+$0x0] =	vst.idx.msk $0xffff, v3;
	v3 =	vadd.s32 s20, v1  }
0x13d: {  	[tilespmem:v31+s11+$0x0] =	vst.idx.msk $0xffff, v4;
	v4 =	vadd.s32 s20, v5  }
0x13e: {  	[tilespmem:v15+s11+$0x0] =	vst.idx.msk $0xffff, v14;
	v14 =	vadd.s32 s20, v6  }
0x13f: {  	v15 =	vadd.s32 s20, v9;
	[tilespmem:v2+s11+$0x0] =	vst.idx.msk $0xffff, v16  }
0x140: {  	v2 =	vadd.s32 s20, v7;
	[tilespmem:v13+s11+$0x0] =	vst.idx.msk $0xffff, v17  }
0x141: {  	v16 =	vadd.s32 s20, v10;
	v3 =	vld.idx.msk [tilespmem:v3+s10+$0x0], $0xffff  }
0x142: {  	v18 =	vor.u32 $0x10, v0;
	v13 =	vadd.s32 s20, v8;
	v4 =	vld.idx.msk [tilespmem:v4+s10+$0x0], $0xffff  }
0x143: {  	v29 =	vor.u32 $0x30, v0;
	v28 =	vor.u32 v18, v62;
	v17 =	vadd.s32 s20, v11;
	v14 =	vld.idx.msk [tilespmem:v14+s10+$0x0], $0xffff  }
0x144: {  	v29 =	vor.u32 v29, v62;
	v30 =	vor.u32 $0x50, v0;
	v15 =	vld.idx.msk [tilespmem:v15+s10+$0x0], $0xffff  }
0x145: {  	v30 =	vor.u32 v30, v62;
	v31 =	vor.u32 $0x70, v0;
	v2 =	vld.idx.msk [tilespmem:v2+s10+$0x0], $0xffff  }
0x146: {  	v31 =	vor.u32 v31, v62;
	v16 =	vld.idx.msk [tilespmem:v16+s10+$0x0], $0xffff  }
0x147: {  	v32 =	vor.u32 $0x430, v0;
	v18 =	vor.u32 v18, v63;
	v13 =	vld.idx.msk [tilespmem:v13+s10+$0x0], $0xffff  }
0x148: {  	v17 =	vld.idx.msk [tilespmem:v17+s10+$0x0], $0xffff;
	[tilespmem:v28+s11+$0x0] =	vst.idx.msk $0xffff, v3;
	v3 =	vor.u32 v32, v62;
	v28 =	vor.u32 $0x450, v0  }
0x149: {  	[tilespmem:v29+s11+$0x0] =	vst.idx.msk $0xffff, v4;
	v4 =	vor.u32 v28, v62;
	v28 =	vor.u32 $0x470, v0  }
0x14a: {  	[tilespmem:v30+s11+$0x0] =	vst.idx.msk $0xffff, v14;
	v14 =	vor.u32 v28, v62  }
0x14b: {  	v28 =	vadd.s32 s20, v12;
	[tilespmem:v31+s11+$0x0] =	vst.idx.msk $0xffff, v2  }
0x14c: {  	v2 =	vadd.s32 s20, v19;
	[tilespmem:v18+s11+$0x0] =	vst.idx.msk $0xffff, v13  }
0x14d: {  	v13 =	vadd.s32 s20, v22;
	[tilespmem:v3+s11+$0x0] =	vst.idx.msk $0xffff, v15  }
0x14e: {  	v3 =	vadd.s32 s20, v20;
	[tilespmem:v4+s11+$0x0] =	vst.idx.msk $0xffff, v16  }
0x14f: {  	v4 =	vadd.s32 s20, v21;
	[tilespmem:v14+s11+$0x0] =	vst.idx.msk $0xffff, v17  }
0x150: {  	v16 =	vadd.s32 s20, v24;
	v15 =	vld.idx.msk [tilespmem:v28+s10+$0x0], $0xffff  }
0x151: {  	v18 =	vor.u32 $0x810, v0;
	v14 =	vadd.s32 s20, v23;
	v2 =	vld.idx.msk [tilespmem:v2+s10+$0x0], $0xffff  }
0x152: {  	v29 =	vor.u32 $0x830, v0;
	v17 =	vadd.s32 s20, v25;
	v28 =	vor.u32 v18, v62;
	v13 =	vld.idx.msk [tilespmem:v13+s10+$0x0], $0xffff  }
0x153: {  	v29 =	vor.u32 v29, v62;
	v30 =	vor.u32 $0x850, v0;
	v3 =	vld.idx.msk [tilespmem:v3+s10+$0x0], $0xffff  }
0x154: {  	v30 =	vor.u32 v30, v62;
	v31 =	vor.u32 $0x870, v0;
	v4 =	vld.idx.msk [tilespmem:v4+s10+$0x0], $0xffff  }
0x155: {  	v31 =	vor.u32 v31, v62;
	v16 =	vld.idx.msk [tilespmem:v16+s10+$0x0], $0xffff  }
0x156: {  	v32 =	vor.u32 $0xC30, v0;
	v18 =	vor.u32 v18, v63;
	v14 =	vld.idx.msk [tilespmem:v14+s10+$0x0], $0xffff  }
0x157: {  	v17 =	vld.idx.msk [tilespmem:v17+s10+$0x0], $0xffff;
	[tilespmem:v28+s11+$0x0] =	vst.idx.msk $0xffff, v15;
	v15 =	vor.u32 v32, v62;
	v28 =	vor.u32 $0xC50, v0  }
0x158: {  	[tilespmem:v29+s11+$0x0] =	vst.idx.msk $0xffff, v2;
	v2 =	vor.u32 v28, v62;
	v28 =	vor.u32 $0xC70, v0  }
0x159: {  	[tilespmem:v30+s11+$0x0] =	vst.idx.msk $0xffff, v3;
	v3 =	vor.u32 v28, v62  }
0x15a: {  	v28 =	vadd.s32 s20, v26;
	[tilespmem:v31+s11+$0x0] =	vst.idx.msk $0xffff, v4  }
0x15b: {  	v4 =	vadd.s32 s20, v34;
	[tilespmem:v18+s11+$0x0] =	vst.idx.msk $0xffff, v13  }
0x15c: {  	v13 =	vadd.s32 s20, v35;
	[tilespmem:v15+s11+$0x0] =	vst.idx.msk $0xffff, v14  }
0x15d: {  	v14 =	vadd.s32 s20, v38;
	[tilespmem:v2+s11+$0x0] =	vst.idx.msk $0xffff, v16  }
0x15e: {  	v2 =	vadd.s32 s20, v36;
	[tilespmem:v3+s11+$0x0] =	vst.idx.msk $0xffff, v17  }
0x15f: {  	v16 =	vadd.s32 s20, v39;
	v15 =	vld.idx.msk [tilespmem:v28+s10+$0x0], $0xffff  }
0x160: {  	v18 =	vor.u32 $0x1010, v0;
	v3 =	vadd.s32 s20, v37;
	v4 =	vld.idx.msk [tilespmem:v4+s10+$0x0], $0xffff  }
0x161: {  	v29 =	vor.u32 $0x1030, v0;
	v17 =	vadd.s32 s20, v40;
	v28 =	vor.u32 v18, v62;
	v13 =	vld.idx.msk [tilespmem:v13+s10+$0x0], $0xffff  }
0x162: {  	v29 =	vor.u32 v29, v62;
	v30 =	vor.u32 $0x1050, v0;
	v14 =	vld.idx.msk [tilespmem:v14+s10+$0x0], $0xffff  }
0x163: {  	v30 =	vor.u32 v30, v62;
	v31 =	vor.u32 $0x1070, v0;
	v2 =	vld.idx.msk [tilespmem:v2+s10+$0x0], $0xffff  }
0x164: {  	v31 =	vor.u32 v31, v62;
	v16 =	vld.idx.msk [tilespmem:v16+s10+$0x0], $0xffff  }
0x165: {  	v32 =	vor.u32 $0x1430, v0;
	v18 =	vor.u32 v18, v63;
	v3 =	vld.idx.msk [tilespmem:v3+s10+$0x0], $0xffff  }
0x166: {  	v17 =	vld.idx.msk [tilespmem:v17+s10+$0x0], $0xffff;
	[tilespmem:v28+s11+$0x0] =	vst.idx.msk $0xffff, v15;
	v15 =	vor.u32 v32, v62;
	v28 =	vor.u32 $0x1450, v0  }
0x167: {  	[tilespmem:v29+s11+$0x0] =	vst.idx.msk $0xffff, v4;
	v4 =	vor.u32 v28, v62;
	v28 =	vor.u32 $0x1470, v0  }
0x168: {  	[tilespmem:v30+s11+$0x0] =	vst.idx.msk $0xffff, v13;
	v13 =	vor.u32 v28, v62  }
0x169: {  	v28 =	vadd.s32 s20, v41;
	[tilespmem:v31+s11+$0x0] =	vst.idx.msk $0xffff, v2  }
0x16a: {  	v2 =	vadd.s32 s20, v49;
	[tilespmem:v18+s11+$0x0] =	vst.idx.msk $0xffff, v3  }
0x16b: {  	v3 =	vadd.s32 s20, v50;
	[tilespmem:v15+s11+$0x0] =	vst.idx.msk $0xffff, v14  }
0x16c: {  	v14 =	vadd.s32 s20, v53;
	[tilespmem:v4+s11+$0x0] =	vst.idx.msk $0xffff, v16  }
0x16d: {  	v4 =	vadd.s32 s20, v51;
	[tilespmem:v13+s11+$0x0] =	vst.idx.msk $0xffff, v17  }
0x16e: {  	v16 =	vadd.s32 s20, v54;
	v15 =	vld.idx.msk [tilespmem:v28+s10+$0x0], $0xffff  }
0x16f: {  	v18 =	vor.u32 $0x1810, v0;
	v13 =	vadd.s32 s20, v52;
	v2 =	vld.idx.msk [tilespmem:v2+s10+$0x0], $0xffff  }
0x170: {  	v29 =	vor.u32 $0x1830, v0;
	v17 =	vadd.s32 s20, v55;
	v28 =	vor.u32 v18, v62;
	v3 =	vld.idx.msk [tilespmem:v3+s10+$0x0], $0xffff  }
0x171: {  	v29 =	vor.u32 v29, v62;
	v30 =	vor.u32 $0x1850, v0;
	v14 =	vld.idx.msk [tilespmem:v14+s10+$0x0], $0xffff  }
0x172: {  	v30 =	vor.u32 v30, v62;
	v31 =	vor.u32 $0x1870, v0;
	v4 =	vld.idx.msk [tilespmem:v4+s10+$0x0], $0xffff  }
0x173: {  	v31 =	vor.u32 v31, v62;
	v16 =	vld.idx.msk [tilespmem:v16+s10+$0x0], $0xffff  }
0x174: {  	v18 =	vor.u32 v18, v63;
	v63 =	vor.u32 $0x1C30, v0;
	v13 =	vld.idx.msk [tilespmem:v13+s10+$0x0], $0xffff  }
0x175: {  	v17 =	vld.idx.msk [tilespmem:v17+s10+$0x0], $0xffff;
	[tilespmem:v28+s11+$0x0] =	vst.idx.msk $0xffff, v15;
	v15 =	vor.u32 v63, v62;
	v28 =	vor.u32 $0x1C50, v0  }
0x176: {  	[tilespmem:v29+s11+$0x0] =	vst.idx.msk $0xffff, v2;
	v2 =	vor.u32 v28, v62;
	v28 =	vor.u32 $0x1C70, v0  }
0x177: {  	p1 =	sne.s32 s19, $0xF;
	[tilespmem:v30+s11+$0x0] =	vst.idx.msk $0xffff, v3;
	v3 =	vor.u32 v28, v62  }
.Ltmp8:
0x178: {  	[tilespmem:v31+s11+$0x0] =	vst.idx.msk $0xffff, v4;
	(pc) =	sbr.rel @p1 .LBB2_9-.Ltmp8, $4  }
0x179: {  	[tilespmem:v18+s11+$0x0] =	vst.idx.msk $0xffff, v13  }
0x17a: {  	[tilespmem:v15+s11+$0x0] =	vst.idx.msk $0xffff, v14  }
0x17b: {  	[tilespmem:v2+s11+$0x0] =	vst.idx.msk $0xffff, v16  }
0x17c: {  	s19 =	sadd.s32 $0x1, s19;
	v32 =	vld [tilespmem:$0x1FF70];
	[tilespmem:v3+s11+$0x0] =	vst.idx.msk $0xffff, v17  }
0x17d: {  	v4 =	vld [tilespmem:$0x1FFC0]  }
.Ltmp9:
0x17e: {  	s17 =	sshll.u32 s17, $0xA;
	v14 =	vld [tilespmem:$0x1FFD0];
	(pc) =	sbr.rel .LBB2_11-.Ltmp9, $4  }
0x17f: {  	v46 =	vld [tilespmem:$0x1FFE0];
	s17 =	sadd.s32 s7, s17  }
0x180: {  	v43 =	vld [tilespmem:$0x1FFF0];
	s17 =	sshrl.u32 s17, $0x3  }
0x181: {  	v48 =	vld [tilespmem:$0x1FF80];
	s17 =	sadd.s32 s2, s17  }
0x182: {  	v13 =	vmov v45;
	v45 =	vld [tilespmem:$0x1FF90];
	[hbm4b:s17+s3] =	stream.linear.scatter [tilespmem:s11], [sflag:$0x2], $0x4000, $0x38  }
.LBB2_13:
0x183: {  	_ =	sfence.sel $0x180000  }
0x184: {  	[bflag:$0x0] =	sbarrier.arrive $0xFFFF  }
0x185: {  	p0 =	sne.s32 s0, $0x0;
	_ =	strace $0x90000047  }
0x186: {  	s0 =	sadd.s32 @!p0 $0x100000, s1;
	[bflag:$0x2] =	sbarrier.arrive $0xFFFF  }
0x187: {  	[sflag:s0] =	ssyncadd.tile.s32 @!p0 $0x1;
	_ =	shalt  }
.Lfunc_end2:
_tile_overlayer_lowered:
.L_overlay_start_2:
0x188: {  	(tag) =	ssettag $0x2  }
0x189: {  	s0 =	rddreg [dreg:$0x0];
	s2 =	stileid.u32  }
0x18a: {  	s1 =	rddreg [dreg:$0x1];
	p0 =	sne.s32 s2, $0x0  }
0x18b: {  	s3 =	rddreg [dreg:$0x2];
	[bflag:$0x3] =	sbarrier.arrive $0xFFFF;
	s2 =	simm.s32 @!p0 $0x1C03  }
0x18c: {  	[timem:s3], [sflag:s2] =	dma.local @!p0 [hbm:s0], s1  }
0x18d: {  	s0 =	simm.s32 @!p0 $0x3  }
0x18e: {  	_ =	swait.ge @!p0 [sflag:s0], s1  }
0x18f: {  	s1 =	ssub.s32 @!p0 $0x0, s1;
	[sflag:s0] =	ssyncset.done @!p0 $0x0  }
0x190: {  	[sflag:s0] =	ssyncadd.s32 @!p0 s1  }
0x191: {  	[bflag:$0x3] =	sbarrier.arrive $0xFFFF  }
0x192: {  	_ =	shalt  }

</sc_bundles>
